<compile_context>
chip_gen: v7x
topology: tpu7x:2x2x1
jax: 0.10.2.dev20260603
libtpu: 0.0.44.dev20260713+nightly
codegen_flags: <defaults>
</compile_context>

<pallas_src>
import functools

import jax
import jax.numpy as jnp
from jax import lax
from jax.experimental import pallas as pl
from jax.experimental.pallas import tpu as pltpu
from jax.experimental.pallas import tpu_sc as plsc

B = 8
H = 224
W = 224
HW = H * W
N_M = 4096
N_UP = 1024
N_UT = 512
LANES = 16
NMQ = N_M // 4
NUPQ = N_UP // 4
NUTQ = N_UT // 4
O_PMB = 0
O_PMD = N_M
O_TMB = 2 * N_M
O_TMD = 3 * N_M
O_PUB = 4 * N_M
O_PUD = O_PUB + N_UP
O_TUB = O_PUD + N_UP
O_TUD = O_TUB + N_UT
N_ALL = O_TUD + N_UT
M_IT = NMQ // LANES
UP_IT = NUPQ // LANES
UT_IT = NUTQ // LANES


def _sc_loss_kernel(input_hbm, target_hbm, coords_hbm, out_hbm,
                    fp_v, ft_v,
                    mbr_v, mbc_v, mdr_v, mdc_v,
                    tbr_v, tbc_v, tdr_v, tdc_v,
                    ubr_v, ubc_v, udr_v, udc_v,
                    vbr_v, vbc_v, vdr_v, vdc_v,
                    part_v, red_v, out_v, sem,
                    partials_sp):
    c = lax.axis_index("c")
    s = lax.axis_index("s")
    q = s % 4
    b = c * 4 + s // 4

    cps = []
    for off, n, rbuf, cbuf in (
            (O_PMB, NMQ, mbr_v, mbc_v), (O_PMD, NMQ, mdr_v, mdc_v),
            (O_TMB, NMQ, tbr_v, tbc_v), (O_TMD, NMQ, tdr_v, tdc_v),
            (O_PUB, NUPQ, ubr_v, ubc_v), (O_PUD, NUPQ, udr_v, udc_v),
            (O_TUB, NUTQ, vbr_v, vbc_v), (O_TUD, NUTQ, vdr_v, vdc_v)):
        cps.append(pltpu.async_copy(
            coords_hbm.at[b, 0, pl.ds(off + q * n, n)], rbuf, sem))
        cps.append(pltpu.async_copy(
            coords_hbm.at[b, 1, pl.ds(off + q * n, n)], cbuf, sem))
    cp_fp = pltpu.async_copy(input_hbm.at[b, 0], fp_v, sem)
    cp_ft = pltpu.async_copy(target_hbm.at[b, 0], ft_v, sem)
    for cp in cps:
        cp.wait()
    cp_fp.wait()

    def sig(v):
        return 1.0 / (1.0 + jnp.exp(-v))

    def g(field, rbuf, cbuf, o):
        return plsc.load_gather(
            field, [rbuf[pl.ds(o, LANES)], cbuf[pl.ds(o, LANES)]])

    def up_body(i, acc):
        o = i * LANES
        d = sig(g(fp_v, ubr_v, ubc_v, o)) - sig(g(fp_v, udr_v, udc_v, o))
        return acc + d * d
    acc0 = lax.fori_loop(0, UP_IT, up_body,
                         jnp.zeros((LANES,), jnp.float32), unroll=2)

    cp_ft.wait()

    def matched_body(i, acc):
        o = i * LANES
        db = sig(g(fp_v, mbr_v, mbc_v, o)) - g(ft_v, tbr_v, tbc_v, o)
        dd = sig(g(fp_v, mdr_v, mdc_v, o)) - g(ft_v, tdr_v, tdc_v, o)
        return acc + (db * db + dd * dd)
    acc = lax.fori_loop(0, M_IT, matched_body,
                        jnp.zeros((LANES,), jnp.float32), unroll=4)
    acc = acc + acc

    def ut_body(i, acc):
        o = i * LANES
        d = g(ft_v, vbr_v, vbc_v, o) - g(ft_v, vdr_v, vdc_v, o)
        return acc + d * d
    acc = lax.fori_loop(0, UT_IT, ut_body, acc + acc0, unroll=2)

    part_v[...] = acc
    pltpu.sync_copy(part_v, partials_sp.at[pl.ds(s * LANES, LANES)])
    plsc.subcore_barrier()

    @pl.when(s == 0)
    def _reduce():
        pltpu.sync_copy(partials_sp, red_v)

        def body(j, acc):
            return acc + red_v[pl.ds(j * LANES, LANES)]
        tot = lax.fori_loop(0, 16, body, jnp.zeros((LANES,), jnp.float32))
        total = jnp.sum(tot) * jnp.float32(1.0 / B)
        out_v[...] = jnp.broadcast_to(total, (LANES,))
        pltpu.sync_copy(out_v, out_hbm.at[c])


_sc_loss = functools.partial(
    pl.kernel,
    mesh=plsc.VectorSubcoreMesh(core_axis_name="c", subcore_axis_name="s"),
    out_type=jax.ShapeDtypeStruct((2, LANES), jnp.float32),
    compiler_params=pltpu.CompilerParams(needs_layout_passes=False),
    scratch_types=[
        pltpu.VMEM((H, W), jnp.float32),
        pltpu.VMEM((H, W), jnp.float32),
        pltpu.VMEM((NMQ,), jnp.int32),
        pltpu.VMEM((NMQ,), jnp.int32),
        pltpu.VMEM((NMQ,), jnp.int32),
        pltpu.VMEM((NMQ,), jnp.int32),
        pltpu.VMEM((NMQ,), jnp.int32),
        pltpu.VMEM((NMQ,), jnp.int32),
        pltpu.VMEM((NMQ,), jnp.int32),
        pltpu.VMEM((NMQ,), jnp.int32),
        pltpu.VMEM((NUPQ,), jnp.int32),
        pltpu.VMEM((NUPQ,), jnp.int32),
        pltpu.VMEM((NUPQ,), jnp.int32),
        pltpu.VMEM((NUPQ,), jnp.int32),
        pltpu.VMEM((NUTQ,), jnp.int32),
        pltpu.VMEM((NUTQ,), jnp.int32),
        pltpu.VMEM((NUTQ,), jnp.int32),
        pltpu.VMEM((NUTQ,), jnp.int32),
        pltpu.VMEM((LANES,), jnp.float32),
        pltpu.VMEM((16 * LANES,), jnp.float32),
        pltpu.VMEM((LANES,), jnp.float32),
        pltpu.SemaphoreType.DMA,
        pltpu.VMEM_SHARED((16 * LANES,), jnp.float32),
    ],
)(_sc_loss_kernel)


@jax.jit
def kernel(input, target, pred_mb, pred_md, tgt_mb, tgt_md,
           pred_ub, pred_ud, tgt_ub, tgt_ud):
    coords = jnp.concatenate(
        [pred_mb, pred_md, tgt_mb, tgt_md,
         pred_ub, pred_ud, tgt_ub, tgt_ud], axis=1).astype(jnp.int32)
    coords_t = coords.transpose(0, 2, 1)
    out = _sc_loss(input, target, coords_t)
    return out[0, 0] + out[1, 0]

# --- scband reference (transcript-rebuilt; emitter-appended) ---
"""Pipeline reference for scband-betti-matching-loss-40690520163007 (READ-ONLY COPY).

The authoritative reference and input builder live on the scoring server;
editing this copy changes nothing except your own understanding.
"""

import jax, jax.numpy as jnp
import numpy as np

B, H, W = 8, 224, 224
N_MATCHED = 4096
N_UNMATCHED_PRED = 1024
N_UNMATCHED_TGT = 512


def setup_inputs(seed: int = 0) -> dict:
    key = jax.random.key(seed)
    ks = jax.random.split(key, 12)
    inp = {}
    inp['input'] = jax.random.normal(ks[0], (B, 1, H, W), dtype=jnp.float32)
    inp['target'] = jax.random.uniform(ks[1], (B, 1, H, W), dtype=jnp.float32)

    # Persistence-pair coordinates that the Betti-Matching-3D C++ extension would
    # produce. They are int constants w.r.t. the differentiable loss; we synthesize
    # them with fixed seeds so the gather/reduce math is exercised faithfully.
    def coords(k, n):
        return jax.random.randint(k, (B, n, 2), 0, H).astype(jnp.int64)

    inp['pred_mb'] = coords(ks[2], N_MATCHED)
    inp['pred_md'] = coords(ks[3], N_MATCHED)
    inp['tgt_mb'] = coords(ks[4], N_MATCHED)
    inp['tgt_md'] = coords(ks[5], N_MATCHED)
    inp['pred_ub'] = coords(ks[6], N_UNMATCHED_PRED)
    inp['pred_ud'] = coords(ks[7], N_UNMATCHED_PRED)
    inp['tgt_ub'] = coords(ks[8], N_UNMATCHED_TGT)
    inp['tgt_ud'] = coords(ks[9], N_UNMATCHED_TGT)
    return inp


def _gather(field, coords):
    # field: [B, H, W]; coords: [B, N, 2] -> values [B, N]
    b = jnp.arange(field.shape[0])[:, None]
    return field[b, coords[..., 0], coords[..., 1]]


def reference(input, target, pred_mb, pred_md, tgt_mb, tgt_md, pred_ub, pred_ud, tgt_ub, tgt_ud):
    # _prepare_fields: single foreground channel, logits outside [0,1] -> sigmoid
    pred_fg = jax.nn.sigmoid(input)[:, 0]  # [B, H, W]
    tgt_fg = target[:, 0]                  # [B, H, W]

    # matched pairs: loss = 2 * ||pred_pairs - tgt_pairs||^2
    pb = _gather(pred_fg, pred_mb)
    pd = _gather(pred_fg, pred_md)
    tb = _gather(tgt_fg, tgt_mb)
    td = _gather(tgt_fg, tgt_md)
    loss_matched = 2.0 * jnp.sum((pb - tb) ** 2 + (pd - td) ** 2, axis=1)

    # unmatched prediction pairs pushed to diagonal: sum (birth - death)^2
    ub = _gather(pred_fg, pred_ub)
    ud = _gather(pred_fg, pred_ud)
    loss_unmatched_pred = jnp.sum((ub - ud) ** 2, axis=1)

    # include_unmatched_target=True, push_to='diagonal'
    tub = _gather(tgt_fg, tgt_ub)
    tud = _gather(tgt_fg, tgt_ud)
    loss_unmatched_tgt = jnp.sum((tub - tud) ** 2, axis=1)

    total = loss_matched + loss_unmatched_pred + loss_unmatched_tgt  # per-batch [B]
    # aggregate over batch parts (mean, as in _aggregate_aux / final reduction)
    return jnp.mean(total)

if __name__ == "__main__":
    import jax
    _d = setup_inputs()
    print(jax.jit(kernel)(*tuple(_d.values())))

</pallas_src>

<mosaic_0001>
#map = affine_map<(d0, d1) -> (0, 0, 0, 0)>
#map1 = affine_map<(d0, d1) -> (0, 0, 0)>
#map2 = affine_map<(d0, d1) -> (0, 0)>
module attributes {stable_mosaic.version = 14 : i64} {
  func.func @_sc_loss_kernel(%arg0: i32, %arg1: i32, %arg2: memref<8x1x224x224xf32, #tpu.memory_space<hbm>>, %arg3: memref<8x1x224x224xf32, #tpu.memory_space<hbm>>, %arg4: memref<8x2x19456xi32, #tpu.memory_space<hbm>>, %arg5: memref<2x16xf32, #tpu.memory_space<hbm>>, %arg6: memref<224x224xf32, #tpu.memory_space<vmem>>, %arg7: memref<224x224xf32, #tpu.memory_space<vmem>>, %arg8: memref<1024xi32, #tpu.memory_space<vmem>>, %arg9: memref<1024xi32, #tpu.memory_space<vmem>>, %arg10: memref<1024xi32, #tpu.memory_space<vmem>>, %arg11: memref<1024xi32, #tpu.memory_space<vmem>>, %arg12: memref<1024xi32, #tpu.memory_space<vmem>>, %arg13: memref<1024xi32, #tpu.memory_space<vmem>>, %arg14: memref<1024xi32, #tpu.memory_space<vmem>>, %arg15: memref<1024xi32, #tpu.memory_space<vmem>>, %arg16: memref<256xi32, #tpu.memory_space<vmem>>, %arg17: memref<256xi32, #tpu.memory_space<vmem>>, %arg18: memref<256xi32, #tpu.memory_space<vmem>>, %arg19: memref<256xi32, #tpu.memory_space<vmem>>, %arg20: memref<128xi32, #tpu.memory_space<vmem>>, %arg21: memref<128xi32, #tpu.memory_space<vmem>>, %arg22: memref<128xi32, #tpu.memory_space<vmem>>, %arg23: memref<128xi32, #tpu.memory_space<vmem>>, %arg24: memref<16xf32, #tpu.memory_space<vmem>>, %arg25: memref<256xf32, #tpu.memory_space<vmem>>, %arg26: memref<16xf32, #tpu.memory_space<vmem>>, %arg27: memref<!tpu.dma_semaphore, #tpu.memory_space<semaphore_mem>>, %arg28: memref<256xf32, #tpu.memory_space<vmem_shared>>) attributes {dimension_semantics = [#tpu.dimension_semantics<core_parallel>, #tpu.dimension_semantics<subcore_parallel>], iteration_bounds = array<i64: 2, 16>, scalar_prefetch = 0 : i64, scratch_operands = 23 : i64, tpu.core_type = #tpu.core_type<sc_vector_subcore>, window_params = [{transform_indices = #map}, {transform_indices = #map}, {transform_indices = #map1}, {transform_indices = #map2}]} {
    %jit3A = arith.constant 4 : i32
    %eq3A = arith.constant 0 : i32
    %eq3A_0 = arith.cmpi eq, %jit3A, %eq3A : i32
    %jit3A_1 = arith.constant 1 : i32
    %select_n3A = arith.select %eq3A_0, %jit3A_1, %jit3A : i32
    %rem3A = arith.remsi %arg1, %select_n3A : i32
    %ne3A = arith.constant 0 : i32
    %ne3A_2 = arith.cmpi ne, %rem3A, %ne3A : i32
    %lt3A = arith.constant 0 : i32
    %lt3A_3 = arith.cmpi slt, %rem3A, %lt3A : i32
    %lt3A_4 = arith.constant 0 : i32
    %lt3A_5 = arith.cmpi slt, %select_n3A, %lt3A_4 : i32
    %ne3A_6 = arith.xori %lt3A_3, %lt3A_5 : i1
    %and3A = arith.andi %ne3A_6, %ne3A_2 : i1
    %add3A = arith.addi %rem3A, %select_n3A : i32
    %select_n3A_7 = arith.select %and3A, %add3A, %rem3A : i32
    %mul3A = arith.constant 4 : i32
    %mul3A_8 = arith.muli %arg0, %mul3A : i32
    %jit3A_9 = arith.constant 4 : i32
    %div3A = arith.divsi %arg1, %jit3A_9 : i32
    %sign3A = arith.constant 0 : i32
    %sign3A_10 = arith.cmpi sgt, %arg1, %sign3A : i32
    %sign3A_11 = arith.extui %sign3A_10 : i1 to i32
    %sign3A_12 = arith.constant 0 : i32
    %sign3A_13 = arith.cmpi slt, %arg1, %sign3A_12 : i32
    %sign3A_14 = arith.extui %sign3A_13 : i1 to i32
    %sign3A_15 = arith.subi %sign3A_11, %sign3A_14 : i32
    %sign3A_16 = arith.constant 0 : i32
    %sign3A_17 = arith.cmpi sgt, %jit3A_9, %sign3A_16 : i32
    %sign3A_18 = arith.extui %sign3A_17 : i1 to i32
    %sign3A_19 = arith.constant 0 : i32
    %sign3A_20 = arith.cmpi slt, %jit3A_9, %sign3A_19 : i32
    %sign3A_21 = arith.extui %sign3A_20 : i1 to i32
    %sign3A_22 = arith.subi %sign3A_18, %sign3A_21 : i32
    %ne3A_23 = arith.cmpi ne, %sign3A_15, %sign3A_22 : i32
    %rem3A_24 = arith.remsi %arg1, %jit3A_9 : i32
    %ne3A_25 = arith.constant 0 : i32
    %ne3A_26 = arith.cmpi ne, %rem3A_24, %ne3A_25 : i32
    %and3A_27 = arith.andi %ne3A_23, %ne3A_26 : i1
    %sub3A = arith.constant 1 : i32
    %sub3A_28 = arith.subi %div3A, %sub3A : i32
    %select_n3A_29 = arith.select %and3A_27, %sub3A_28, %div3A : i32
    %add3A_30 = arith.addi %mul3A_8, %select_n3A_29 : i32
    %mul3A_31 = arith.constant 1024 : i32
    %mul3A_32 = arith.muli %select_n3A_7, %mul3A_31 : i32
    %add3A_33 = arith.constant 0 : i32
    %add3A_34 = arith.addi %add3A_33, %mul3A_32 : i32
    %dma_start3A = arith.constant 0 : i32
    %dma_start3A_35 = tpu.memref_slice %arg4[%add3A_30, %dma_start3A, %add3A_34] : memref<8x2x19456xi32, #tpu.memory_space<hbm>> -> memref<1x1x1024xi32, #tpu.memory_space<hbm>>
    %dma_start3A_36 = tpu.memref_squeeze %dma_start3A_35 : memref<1x1x1024xi32, #tpu.memory_space<hbm>> -> memref<1024xi32, #tpu.memory_space<hbm>>
    %dma_start3A_37 = tpu.memref_slice %arg4[%add3A_30, %dma_start3A, %add3A_34] : memref<8x2x19456xi32, #tpu.memory_space<hbm>> -> memref<1x1x1024xi32, #tpu.memory_space<hbm>>
    %dma_start3A_38 = tpu.memref_squeeze %dma_start3A_37 : memref<1x1x1024xi32, #tpu.memory_space<hbm>> -> memref<1024xi32, #tpu.memory_space<hbm>>
    tpu.enqueue_dma source(%dma_start3A_38 : memref<1024xi32, #tpu.memory_space<hbm>>) target(%arg8 : memref<1024xi32, #tpu.memory_space<vmem>>) target_semaphore(%arg27 : memref<!tpu.dma_semaphore, #tpu.memory_space<semaphore_mem>>)
    %mul3A_39 = arith.constant 1024 : i32
    %mul3A_40 = arith.muli %select_n3A_7, %mul3A_39 : i32
    %add3A_41 = arith.constant 0 : i32
    %add3A_42 = arith.addi %add3A_41, %mul3A_40 : i32
    %dma_start3A_43 = arith.constant 1 : i32
    %dma_start3A_44 = tpu.memref_slice %arg4[%add3A_30, %dma_start3A_43, %add3A_42] : memref<8x2x19456xi32, #tpu.memory_space<hbm>> -> memref<1x1x1024xi32, #tpu.memory_space<hbm>>
    %dma_start3A_45 = tpu.memref_squeeze %dma_start3A_44 : memref<1x1x1024xi32, #tpu.memory_space<hbm>> -> memref<1024xi32, #tpu.memory_space<hbm>>
    %dma_start3A_46 = tpu.memref_slice %arg4[%add3A_30, %dma_start3A_43, %add3A_42] : memref<8x2x19456xi32, #tpu.memory_space<hbm>> -> memref<1x1x1024xi32, #tpu.memory_space<hbm>>
    %dma_start3A_47 = tpu.memref_squeeze %dma_start3A_46 : memref<1x1x1024xi32, #tpu.memory_space<hbm>> -> memref<1024xi32, #tpu.memory_space<hbm>>
    tpu.enqueue_dma source(%dma_start3A_47 : memref<1024xi32, #tpu.memory_space<hbm>>) target(%arg9 : memref<1024xi32, #tpu.memory_space<vmem>>) target_semaphore(%arg27 : memref<!tpu.dma_semaphore, #tpu.memory_space<semaphore_mem>>)
    %mul3A_48 = arith.constant 1024 : i32
    %mul3A_49 = arith.muli %select_n3A_7, %mul3A_48 : i32
    %add3A_50 = arith.constant 4096 : i32
    %add3A_51 = arith.addi %add3A_50, %mul3A_49 : i32
    %dma_start3A_52 = arith.constant 0 : i32
    %dma_start3A_53 = tpu.memref_slice %arg4[%add3A_30, %dma_start3A_52, %add3A_51] : memref<8x2x19456xi32, #tpu.memory_space<hbm>> -> memref<1x1x1024xi32, #tpu.memory_space<hbm>>
    %dma_start3A_54 = tpu.memref_squeeze %dma_start3A_53 : memref<1x1x1024xi32, #tpu.memory_space<hbm>> -> memref<1024xi32, #tpu.memory_space<hbm>>
    %dma_start3A_55 = tpu.memref_slice %arg4[%add3A_30, %dma_start3A_52, %add3A_51] : memref<8x2x19456xi32, #tpu.memory_space<hbm>> -> memref<1x1x1024xi32, #tpu.memory_space<hbm>>
    %dma_start3A_56 = tpu.memref_squeeze %dma_start3A_55 : memref<1x1x1024xi32, #tpu.memory_space<hbm>> -> memref<1024xi32, #tpu.memory_space<hbm>>
    tpu.enqueue_dma source(%dma_start3A_56 : memref<1024xi32, #tpu.memory_space<hbm>>) target(%arg10 : memref<1024xi32, #tpu.memory_space<vmem>>) target_semaphore(%arg27 : memref<!tpu.dma_semaphore, #tpu.memory_space<semaphore_mem>>)
    %mul3A_57 = arith.constant 1024 : i32
    %mul3A_58 = arith.muli %select_n3A_7, %mul3A_57 : i32
    %add3A_59 = arith.constant 4096 : i32
    %add3A_60 = arith.addi %add3A_59, %mul3A_58 : i32
    %dma_start3A_61 = arith.constant 1 : i32
    %dma_start3A_62 = tpu.memref_slice %arg4[%add3A_30, %dma_start3A_61, %add3A_60] : memref<8x2x19456xi32, #tpu.memory_space<hbm>> -> memref<1x1x1024xi32, #tpu.memory_space<hbm>>
    %dma_start3A_63 = tpu.memref_squeeze %dma_start3A_62 : memref<1x1x1024xi32, #tpu.memory_space<hbm>> -> memref<1024xi32, #tpu.memory_space<hbm>>
    %dma_start3A_64 = tpu.memref_slice %arg4[%add3A_30, %dma_start3A_61, %add3A_60] : memref<8x2x19456xi32, #tpu.memory_space<hbm>> -> memref<1x1x1024xi32, #tpu.memory_space<hbm>>
    %dma_start3A_65 = tpu.memref_squeeze %dma_start3A_64 : memref<1x1x1024xi32, #tpu.memory_space<hbm>> -> memref<1024xi32, #tpu.memory_space<hbm>>
    tpu.enqueue_dma source(%dma_start3A_65 : memref<1024xi32, #tpu.memory_space<hbm>>) target(%arg11 : memref<1024xi32, #tpu.memory_space<vmem>>) target_semaphore(%arg27 : memref<!tpu.dma_semaphore, #tpu.memory_space<semaphore_mem>>)
    %mul3A_66 = arith.constant 1024 : i32
    %mul3A_67 = arith.muli %select_n3A_7, %mul3A_66 : i32
    %add3A_68 = arith.constant 8192 : i32
    %add3A_69 = arith.addi %add3A_68, %mul3A_67 : i32
    %dma_start3A_70 = arith.constant 0 : i32
    %dma_start3A_71 = tpu.memref_slice %arg4[%add3A_30, %dma_start3A_70, %add3A_69] : memref<8x2x19456xi32, #tpu.memory_space<hbm>> -> memref<1x1x1024xi32, #tpu.memory_space<hbm>>
    %dma_start3A_72 = tpu.memref_squeeze %dma_start3A_71 : memref<1x1x1024xi32, #tpu.memory_space<hbm>> -> memref<1024xi32, #tpu.memory_space<hbm>>
    %dma_start3A_73 = tpu.memref_slice %arg4[%add3A_30, %dma_start3A_70, %add3A_69] : memref<8x2x19456xi32, #tpu.memory_space<hbm>> -> memref<1x1x1024xi32, #tpu.memory_space<hbm>>
    %dma_start3A_74 = tpu.memref_squeeze %dma_start3A_73 : memref<1x1x1024xi32, #tpu.memory_space<hbm>> -> memref<1024xi32, #tpu.memory_space<hbm>>
    tpu.enqueue_dma source(%dma_start3A_74 : memref<1024xi32, #tpu.memory_space<hbm>>) target(%arg12 : memref<1024xi32, #tpu.memory_space<vmem>>) target_semaphore(%arg27 : memref<!tpu.dma_semaphore, #tpu.memory_space<semaphore_mem>>)
    %mul3A_75 = arith.constant 1024 : i32
    %mul3A_76 = arith.muli %select_n3A_7, %mul3A_75 : i32
    %add3A_77 = arith.constant 8192 : i32
    %add3A_78 = arith.addi %add3A_77, %mul3A_76 : i32
    %dma_start3A_79 = arith.constant 1 : i32
    %dma_start3A_80 = tpu.memref_slice %arg4[%add3A_30, %dma_start3A_79, %add3A_78] : memref<8x2x19456xi32, #tpu.memory_space<hbm>> -> memref<1x1x1024xi32, #tpu.memory_space<hbm>>
    %dma_start3A_81 = tpu.memref_squeeze %dma_start3A_80 : memref<1x1x1024xi32, #tpu.memory_space<hbm>> -> memref<1024xi32, #tpu.memory_space<hbm>>
    %dma_start3A_82 = tpu.memref_slice %arg4[%add3A_30, %dma_start3A_79, %add3A_78] : memref<8x2x19456xi32, #tpu.memory_space<hbm>> -> memref<1x1x1024xi32, #tpu.memory_space<hbm>>
    %dma_start3A_83 = tpu.memref_squeeze %dma_start3A_82 : memref<1x1x1024xi32, #tpu.memory_space<hbm>> -> memref<1024xi32, #tpu.memory_space<hbm>>
    tpu.enqueue_dma source(%dma_start3A_83 : memref<1024xi32, #tpu.memory_space<hbm>>) target(%arg13 : memref<1024xi32, #tpu.memory_space<vmem>>) target_semaphore(%arg27 : memref<!tpu.dma_semaphore, #tpu.memory_space<semaphore_mem>>)
    %mul3A_84 = arith.constant 1024 : i32
    %mul3A_85 = arith.muli %select_n3A_7, %mul3A_84 : i32
    %add3A_86 = arith.constant 12288 : i32
    %add3A_87 = arith.addi %add3A_86, %mul3A_85 : i32
    %dma_start3A_88 = arith.constant 0 : i32
    %dma_start3A_89 = tpu.memref_slice %arg4[%add3A_30, %dma_start3A_88, %add3A_87] : memref<8x2x19456xi32, #tpu.memory_space<hbm>> -> memref<1x1x1024xi32, #tpu.memory_space<hbm>>
    %dma_start3A_90 = tpu.memref_squeeze %dma_start3A_89 : memref<1x1x1024xi32, #tpu.memory_space<hbm>> -> memref<1024xi32, #tpu.memory_space<hbm>>
    %dma_start3A_91 = tpu.memref_slice %arg4[%add3A_30, %dma_start3A_88, %add3A_87] : memref<8x2x19456xi32, #tpu.memory_space<hbm>> -> memref<1x1x1024xi32, #tpu.memory_space<hbm>>
    %dma_start3A_92 = tpu.memref_squeeze %dma_start3A_91 : memref<1x1x1024xi32, #tpu.memory_space<hbm>> -> memref<1024xi32, #tpu.memory_space<hbm>>
    tpu.enqueue_dma source(%dma_start3A_92 : memref<1024xi32, #tpu.memory_space<hbm>>) target(%arg14 : memref<1024xi32, #tpu.memory_space<vmem>>) target_semaphore(%arg27 : memref<!tpu.dma_semaphore, #tpu.memory_space<semaphore_mem>>)
    %mul3A_93 = arith.constant 1024 : i32
    %mul3A_94 = arith.muli %select_n3A_7, %mul3A_93 : i32
    %add3A_95 = arith.constant 12288 : i32
    %add3A_96 = arith.addi %add3A_95, %mul3A_94 : i32
    %dma_start3A_97 = arith.constant 1 : i32
    %dma_start3A_98 = tpu.memref_slice %arg4[%add3A_30, %dma_start3A_97, %add3A_96] : memref<8x2x19456xi32, #tpu.memory_space<hbm>> -> memref<1x1x1024xi32, #tpu.memory_space<hbm>>
    %dma_start3A_99 = tpu.memref_squeeze %dma_start3A_98 : memref<1x1x1024xi32, #tpu.memory_space<hbm>> -> memref<1024xi32, #tpu.memory_space<hbm>>
    %dma_start3A_100 = tpu.memref_slice %arg4[%add3A_30, %dma_start3A_97, %add3A_96] : memref<8x2x19456xi32, #tpu.memory_space<hbm>> -> memref<1x1x1024xi32, #tpu.memory_space<hbm>>
    %dma_start3A_101 = tpu.memref_squeeze %dma_start3A_100 : memref<1x1x1024xi32, #tpu.memory_space<hbm>> -> memref<1024xi32, #tpu.memory_space<hbm>>
    tpu.enqueue_dma source(%dma_start3A_101 : memref<1024xi32, #tpu.memory_space<hbm>>) target(%arg15 : memref<1024xi32, #tpu.memory_space<vmem>>) target_semaphore(%arg27 : memref<!tpu.dma_semaphore, #tpu.memory_space<semaphore_mem>>)
    %mul3A_102 = arith.constant 256 : i32
    %mul3A_103 = arith.muli %select_n3A_7, %mul3A_102 : i32
    %add3A_104 = arith.constant 16384 : i32
    %add3A_105 = arith.addi %add3A_104, %mul3A_103 : i32
    %dma_start3A_106 = arith.constant 0 : i32
    %dma_start3A_107 = tpu.memref_slice %arg4[%add3A_30, %dma_start3A_106, %add3A_105] : memref<8x2x19456xi32, #tpu.memory_space<hbm>> -> memref<1x1x256xi32, #tpu.memory_space<hbm>>
    %dma_start3A_108 = tpu.memref_squeeze %dma_start3A_107 : memref<1x1x256xi32, #tpu.memory_space<hbm>> -> memref<256xi32, #tpu.memory_space<hbm>>
    %dma_start3A_109 = tpu.memref_slice %arg4[%add3A_30, %dma_start3A_106, %add3A_105] : memref<8x2x19456xi32, #tpu.memory_space<hbm>> -> memref<1x1x256xi32, #tpu.memory_space<hbm>>
    %dma_start3A_110 = tpu.memref_squeeze %dma_start3A_109 : memref<1x1x256xi32, #tpu.memory_space<hbm>> -> memref<256xi32, #tpu.memory_space<hbm>>
    tpu.enqueue_dma source(%dma_start3A_110 : memref<256xi32, #tpu.memory_space<hbm>>) target(%arg16 : memref<256xi32, #tpu.memory_space<vmem>>) target_semaphore(%arg27 : memref<!tpu.dma_semaphore, #tpu.memory_space<semaphore_mem>>)
    %mul3A_111 = arith.constant 256 : i32
    %mul3A_112 = arith.muli %select_n3A_7, %mul3A_111 : i32
    %add3A_113 = arith.constant 16384 : i32
    %add3A_114 = arith.addi %add3A_113, %mul3A_112 : i32
    %dma_start3A_115 = arith.constant 1 : i32
    %dma_start3A_116 = tpu.memref_slice %arg4[%add3A_30, %dma_start3A_115, %add3A_114] : memref<8x2x19456xi32, #tpu.memory_space<hbm>> -> memref<1x1x256xi32, #tpu.memory_space<hbm>>
    %dma_start3A_117 = tpu.memref_squeeze %dma_start3A_116 : memref<1x1x256xi32, #tpu.memory_space<hbm>> -> memref<256xi32, #tpu.memory_space<hbm>>
    %dma_start3A_118 = tpu.memref_slice %arg4[%add3A_30, %dma_start3A_115, %add3A_114] : memref<8x2x19456xi32, #tpu.memory_space<hbm>> -> memref<1x1x256xi32, #tpu.memory_space<hbm>>
    %dma_start3A_119 = tpu.memref_squeeze %dma_start3A_118 : memref<1x1x256xi32, #tpu.memory_space<hbm>> -> memref<256xi32, #tpu.memory_space<hbm>>
    tpu.enqueue_dma source(%dma_start3A_119 : memref<256xi32, #tpu.memory_space<hbm>>) target(%arg17 : memref<256xi32, #tpu.memory_space<vmem>>) target_semaphore(%arg27 : memref<!tpu.dma_semaphore, #tpu.memory_space<semaphore_mem>>)
    %mul3A_120 = arith.constant 256 : i32
    %mul3A_121 = arith.muli %select_n3A_7, %mul3A_120 : i32
    %add3A_122 = arith.constant 17408 : i32
    %add3A_123 = arith.addi %add3A_122, %mul3A_121 : i32
    %dma_start3A_124 = arith.constant 0 : i32
    %dma_start3A_125 = tpu.memref_slice %arg4[%add3A_30, %dma_start3A_124, %add3A_123] : memref<8x2x19456xi32, #tpu.memory_space<hbm>> -> memref<1x1x256xi32, #tpu.memory_space<hbm>>
    %dma_start3A_126 = tpu.memref_squeeze %dma_start3A_125 : memref<1x1x256xi32, #tpu.memory_space<hbm>> -> memref<256xi32, #tpu.memory_space<hbm>>
    %dma_start3A_127 = tpu.memref_slice %arg4[%add3A_30, %dma_start3A_124, %add3A_123] : memref<8x2x19456xi32, #tpu.memory_space<hbm>> -> memref<1x1x256xi32, #tpu.memory_space<hbm>>
    %dma_start3A_128 = tpu.memref_squeeze %dma_start3A_127 : memref<1x1x256xi32, #tpu.memory_space<hbm>> -> memref<256xi32, #tpu.memory_space<hbm>>
    tpu.enqueue_dma source(%dma_start3A_128 : memref<256xi32, #tpu.memory_space<hbm>>) target(%arg18 : memref<256xi32, #tpu.memory_space<vmem>>) target_semaphore(%arg27 : memref<!tpu.dma_semaphore, #tpu.memory_space<semaphore_mem>>)
    %mul3A_129 = arith.constant 256 : i32
    %mul3A_130 = arith.muli %select_n3A_7, %mul3A_129 : i32
    %add3A_131 = arith.constant 17408 : i32
    %add3A_132 = arith.addi %add3A_131, %mul3A_130 : i32
    %dma_start3A_133 = arith.constant 1 : i32
    %dma_start3A_134 = tpu.memref_slice %arg4[%add3A_30, %dma_start3A_133, %add3A_132] : memref<8x2x19456xi32, #tpu.memory_space<hbm>> -> memref<1x1x256xi32, #tpu.memory_space<hbm>>
    %dma_start3A_135 = tpu.memref_squeeze %dma_start3A_134 : memref<1x1x256xi32, #tpu.memory_space<hbm>> -> memref<256xi32, #tpu.memory_space<hbm>>
    %dma_start3A_136 = tpu.memref_slice %arg4[%add3A_30, %dma_start3A_133, %add3A_132] : memref<8x2x19456xi32, #tpu.memory_space<hbm>> -> memref<1x1x256xi32, #tpu.memory_space<hbm>>
    %dma_start3A_137 = tpu.memref_squeeze %dma_start3A_136 : memref<1x1x256xi32, #tpu.memory_space<hbm>> -> memref<256xi32, #tpu.memory_space<hbm>>
    tpu.enqueue_dma source(%dma_start3A_137 : memref<256xi32, #tpu.memory_space<hbm>>) target(%arg19 : memref<256xi32, #tpu.memory_space<vmem>>) target_semaphore(%arg27 : memref<!tpu.dma_semaphore, #tpu.memory_space<semaphore_mem>>)
    %mul3A_138 = arith.constant 128 : i32
    %mul3A_139 = arith.muli %select_n3A_7, %mul3A_138 : i32
    %add3A_140 = arith.constant 18432 : i32
    %add3A_141 = arith.addi %add3A_140, %mul3A_139 : i32
    %dma_start3A_142 = arith.constant 0 : i32
    %dma_start3A_143 = tpu.memref_slice %arg4[%add3A_30, %dma_start3A_142, %add3A_141] : memref<8x2x19456xi32, #tpu.memory_space<hbm>> -> memref<1x1x128xi32, #tpu.memory_space<hbm>>
    %dma_start3A_144 = tpu.memref_squeeze %dma_start3A_143 : memref<1x1x128xi32, #tpu.memory_space<hbm>> -> memref<128xi32, #tpu.memory_space<hbm>>
    %dma_start3A_145 = tpu.memref_slice %arg4[%add3A_30, %dma_start3A_142, %add3A_141] : memref<8x2x19456xi32, #tpu.memory_space<hbm>> -> memref<1x1x128xi32, #tpu.memory_space<hbm>>
    %dma_start3A_146 = tpu.memref_squeeze %dma_start3A_145 : memref<1x1x128xi32, #tpu.memory_space<hbm>> -> memref<128xi32, #tpu.memory_space<hbm>>
    tpu.enqueue_dma source(%dma_start3A_146 : memref<128xi32, #tpu.memory_space<hbm>>) target(%arg20 : memref<128xi32, #tpu.memory_space<vmem>>) target_semaphore(%arg27 : memref<!tpu.dma_semaphore, #tpu.memory_space<semaphore_mem>>)
    %mul3A_147 = arith.constant 128 : i32
    %mul3A_148 = arith.muli %select_n3A_7, %mul3A_147 : i32
    %add3A_149 = arith.constant 18432 : i32
    %add3A_150 = arith.addi %add3A_149, %mul3A_148 : i32
    %dma_start3A_151 = arith.constant 1 : i32
    %dma_start3A_152 = tpu.memref_slice %arg4[%add3A_30, %dma_start3A_151, %add3A_150] : memref<8x2x19456xi32, #tpu.memory_space<hbm>> -> memref<1x1x128xi32, #tpu.memory_space<hbm>>
    %dma_start3A_153 = tpu.memref_squeeze %dma_start3A_152 : memref<1x1x128xi32, #tpu.memory_space<hbm>> -> memref<128xi32, #tpu.memory_space<hbm>>
    %dma_start3A_154 = tpu.memref_slice %arg4[%add3A_30, %dma_start3A_151, %add3A_150] : memref<8x2x19456xi32, #tpu.memory_space<hbm>> -> memref<1x1x128xi32, #tpu.memory_space<hbm>>
    %dma_start3A_155 = tpu.memref_squeeze %dma_start3A_154 : memref<1x1x128xi32, #tpu.memory_space<hbm>> -> memref<128xi32, #tpu.memory_space<hbm>>
    tpu.enqueue_dma source(%dma_start3A_155 : memref<128xi32, #tpu.memory_space<hbm>>) target(%arg21 : memref<128xi32, #tpu.memory_space<vmem>>) target_semaphore(%arg27 : memref<!tpu.dma_semaphore, #tpu.memory_space<semaphore_mem>>)
    %mul3A_156 = arith.constant 128 : i32
    %mul3A_157 = arith.muli %select_n3A_7, %mul3A_156 : i32
    %add3A_158 = arith.constant 18944 : i32
    %add3A_159 = arith.addi %add3A_158, %mul3A_157 : i32
    %dma_start3A_160 = arith.constant 0 : i32
    %dma_start3A_161 = tpu.memref_slice %arg4[%add3A_30, %dma_start3A_160, %add3A_159] : memref<8x2x19456xi32, #tpu.memory_space<hbm>> -> memref<1x1x128xi32, #tpu.memory_space<hbm>>
    %dma_start3A_162 = tpu.memref_squeeze %dma_start3A_161 : memref<1x1x128xi32, #tpu.memory_space<hbm>> -> memref<128xi32, #tpu.memory_space<hbm>>
    %dma_start3A_163 = tpu.memref_slice %arg4[%add3A_30, %dma_start3A_160, %add3A_159] : memref<8x2x19456xi32, #tpu.memory_space<hbm>> -> memref<1x1x128xi32, #tpu.memory_space<hbm>>
    %dma_start3A_164 = tpu.memref_squeeze %dma_start3A_163 : memref<1x1x128xi32, #tpu.memory_space<hbm>> -> memref<128xi32, #tpu.memory_space<hbm>>
    tpu.enqueue_dma source(%dma_start3A_164 : memref<128xi32, #tpu.memory_space<hbm>>) target(%arg22 : memref<128xi32, #tpu.memory_space<vmem>>) target_semaphore(%arg27 : memref<!tpu.dma_semaphore, #tpu.memory_space<semaphore_mem>>)
    %mul3A_165 = arith.constant 128 : i32
    %mul3A_166 = arith.muli %select_n3A_7, %mul3A_165 : i32
    %add3A_167 = arith.constant 18944 : i32
    %add3A_168 = arith.addi %add3A_167, %mul3A_166 : i32
    %dma_start3A_169 = arith.constant 1 : i32
    %dma_start3A_170 = tpu.memref_slice %arg4[%add3A_30, %dma_start3A_169, %add3A_168] : memref<8x2x19456xi32, #tpu.memory_space<hbm>> -> memref<1x1x128xi32, #tpu.memory_space<hbm>>
    %dma_start3A_171 = tpu.memref_squeeze %dma_start3A_170 : memref<1x1x128xi32, #tpu.memory_space<hbm>> -> memref<128xi32, #tpu.memory_space<hbm>>
    %dma_start3A_172 = tpu.memref_slice %arg4[%add3A_30, %dma_start3A_169, %add3A_168] : memref<8x2x19456xi32, #tpu.memory_space<hbm>> -> memref<1x1x128xi32, #tpu.memory_space<hbm>>
    %dma_start3A_173 = tpu.memref_squeeze %dma_start3A_172 : memref<1x1x128xi32, #tpu.memory_space<hbm>> -> memref<128xi32, #tpu.memory_space<hbm>>
    tpu.enqueue_dma source(%dma_start3A_173 : memref<128xi32, #tpu.memory_space<hbm>>) target(%arg23 : memref<128xi32, #tpu.memory_space<vmem>>) target_semaphore(%arg27 : memref<!tpu.dma_semaphore, #tpu.memory_space<semaphore_mem>>)
    %dma_start3A_174 = arith.constant 0 : i32
    %dma_start3A_175 = arith.constant 0 : i32
    %dma_start3A_176 = arith.constant 0 : i32
    %dma_start3A_177 = tpu.memref_slice %arg2[%add3A_30, %dma_start3A_174, %dma_start3A_175, %dma_start3A_176] : memref<8x1x224x224xf32, #tpu.memory_space<hbm>> -> memref<1x1x224x224xf32, #tpu.memory_space<hbm>>
    %dma_start3A_178 = tpu.memref_squeeze %dma_start3A_177 : memref<1x1x224x224xf32, #tpu.memory_space<hbm>> -> memref<224x224xf32, #tpu.memory_space<hbm>>
    %dma_start3A_179 = arith.constant 0 : i32
    %dma_start3A_180 = arith.constant 0 : i32
    %dma_start3A_181 = tpu.memref_slice %arg2[%add3A_30, %dma_start3A_174, %dma_start3A_179, %dma_start3A_180] : memref<8x1x224x224xf32, #tpu.memory_space<hbm>> -> memref<1x1x224x224xf32, #tpu.memory_space<hbm>>
    %dma_start3A_182 = tpu.memref_squeeze %dma_start3A_181 : memref<1x1x224x224xf32, #tpu.memory_space<hbm>> -> memref<224x224xf32, #tpu.memory_space<hbm>>
    tpu.enqueue_dma source(%dma_start3A_182 : memref<224x224xf32, #tpu.memory_space<hbm>>) target(%arg6 : memref<224x224xf32, #tpu.memory_space<vmem>>) target_semaphore(%arg27 : memref<!tpu.dma_semaphore, #tpu.memory_space<semaphore_mem>>)
    %dma_start3A_183 = arith.constant 0 : i32
    %dma_start3A_184 = arith.constant 0 : i32
    %dma_start3A_185 = arith.constant 0 : i32
    %dma_start3A_186 = tpu.memref_slice %arg3[%add3A_30, %dma_start3A_183, %dma_start3A_184, %dma_start3A_185] : memref<8x1x224x224xf32, #tpu.memory_space<hbm>> -> memref<1x1x224x224xf32, #tpu.memory_space<hbm>>
    %dma_start3A_187 = tpu.memref_squeeze %dma_start3A_186 : memref<1x1x224x224xf32, #tpu.memory_space<hbm>> -> memref<224x224xf32, #tpu.memory_space<hbm>>
    %dma_start3A_188 = arith.constant 0 : i32
    %dma_start3A_189 = arith.constant 0 : i32
    %dma_start3A_190 = tpu.memref_slice %arg3[%add3A_30, %dma_start3A_183, %dma_start3A_188, %dma_start3A_189] : memref<8x1x224x224xf32, #tpu.memory_space<hbm>> -> memref<1x1x224x224xf32, #tpu.memory_space<hbm>>
    %dma_start3A_191 = tpu.memref_squeeze %dma_start3A_190 : memref<1x1x224x224xf32, #tpu.memory_space<hbm>> -> memref<224x224xf32, #tpu.memory_space<hbm>>
    tpu.enqueue_dma source(%dma_start3A_191 : memref<224x224xf32, #tpu.memory_space<hbm>>) target(%arg7 : memref<224x224xf32, #tpu.memory_space<vmem>>) target_semaphore(%arg27 : memref<!tpu.dma_semaphore, #tpu.memory_space<semaphore_mem>>)
    %dma_wait3A = arith.constant 0 : i32
    %dma_wait3A_192 = tpu.memref_slice %arg4[%add3A_30, %dma_wait3A, %add3A_34] : memref<8x2x19456xi32, #tpu.memory_space<hbm>> -> memref<1x1x1024xi32, #tpu.memory_space<hbm>>
    %dma_wait3A_193 = tpu.memref_squeeze %dma_wait3A_192 : memref<1x1x1024xi32, #tpu.memory_space<hbm>> -> memref<1024xi32, #tpu.memory_space<hbm>>
    %dma_wait3A_194 = tpu.memref_slice %arg4[%add3A_30, %dma_wait3A, %add3A_34] : memref<8x2x19456xi32, #tpu.memory_space<hbm>> -> memref<1x1x1024xi32, #tpu.memory_space<hbm>>
    %dma_wait3A_195 = tpu.memref_squeeze %dma_wait3A_194 : memref<1x1x1024xi32, #tpu.memory_space<hbm>> -> memref<1024xi32, #tpu.memory_space<hbm>>
    tpu.wait_dma2 semaphore(%arg27 : memref<!tpu.dma_semaphore, #tpu.memory_space<semaphore_mem>>) src(%dma_wait3A_195 : memref<1024xi32, #tpu.memory_space<hbm>>) dst(%arg8 : memref<1024xi32, #tpu.memory_space<vmem>>)
    %dma_wait3A_196 = arith.constant 1 : i32
    %dma_wait3A_197 = tpu.memref_slice %arg4[%add3A_30, %dma_wait3A_196, %add3A_42] : memref<8x2x19456xi32, #tpu.memory_space<hbm>> -> memref<1x1x1024xi32, #tpu.memory_space<hbm>>
    %dma_wait3A_198 = tpu.memref_squeeze %dma_wait3A_197 : memref<1x1x1024xi32, #tpu.memory_space<hbm>> -> memref<1024xi32, #tpu.memory_space<hbm>>
    %dma_wait3A_199 = tpu.memref_slice %arg4[%add3A_30, %dma_wait3A_196, %add3A_42] : memref<8x2x19456xi32, #tpu.memory_space<hbm>> -> memref<1x1x1024xi32, #tpu.memory_space<hbm>>
    %dma_wait3A_200 = tpu.memref_squeeze %dma_wait3A_199 : memref<1x1x1024xi32, #tpu.memory_space<hbm>> -> memref<1024xi32, #tpu.memory_space<hbm>>
    tpu.wait_dma2 semaphore(%arg27 : memref<!tpu.dma_semaphore, #tpu.memory_space<semaphore_mem>>) src(%dma_wait3A_200 : memref<1024xi32, #tpu.memory_space<hbm>>) dst(%arg9 : memref<1024xi32, #tpu.memory_space<vmem>>)
    %dma_wait3A_201 = arith.constant 0 : i32
    %dma_wait3A_202 = tpu.memref_slice %arg4[%add3A_30, %dma_wait3A_201, %add3A_51] : memref<8x2x19456xi32, #tpu.memory_space<hbm>> -> memref<1x1x1024xi32, #tpu.memory_space<hbm>>
    %dma_wait3A_203 = tpu.memref_squeeze %dma_wait3A_202 : memref<1x1x1024xi32, #tpu.memory_space<hbm>> -> memref<1024xi32, #tpu.memory_space<hbm>>
    %dma_wait3A_204 = tpu.memref_slice %arg4[%add3A_30, %dma_wait3A_201, %add3A_51] : memref<8x2x19456xi32, #tpu.memory_space<hbm>> -> memref<1x1x1024xi32, #tpu.memory_space<hbm>>
    %dma_wait3A_205 = tpu.memref_squeeze %dma_wait3A_204 : memref<1x1x1024xi32, #tpu.memory_space<hbm>> -> memref<1024xi32, #tpu.memory_space<hbm>>
    tpu.wait_dma2 semaphore(%arg27 : memref<!tpu.dma_semaphore, #tpu.memory_space<semaphore_mem>>) src(%dma_wait3A_205 : memref<1024xi32, #tpu.memory_space<hbm>>) dst(%arg10 : memref<1024xi32, #tpu.memory_space<vmem>>)
    %dma_wait3A_206 = arith.constant 1 : i32
    %dma_wait3A_207 = tpu.memref_slice %arg4[%add3A_30, %dma_wait3A_206, %add3A_60] : memref<8x2x19456xi32, #tpu.memory_space<hbm>> -> memref<1x1x1024xi32, #tpu.memory_space<hbm>>
    %dma_wait3A_208 = tpu.memref_squeeze %dma_wait3A_207 : memref<1x1x1024xi32, #tpu.memory_space<hbm>> -> memref<1024xi32, #tpu.memory_space<hbm>>
    %dma_wait3A_209 = tpu.memref_slice %arg4[%add3A_30, %dma_wait3A_206, %add3A_60] : memref<8x2x19456xi32, #tpu.memory_space<hbm>> -> memref<1x1x1024xi32, #tpu.memory_space<hbm>>
    %dma_wait3A_210 = tpu.memref_squeeze %dma_wait3A_209 : memref<1x1x1024xi32, #tpu.memory_space<hbm>> -> memref<1024xi32, #tpu.memory_space<hbm>>
    tpu.wait_dma2 semaphore(%arg27 : memref<!tpu.dma_semaphore, #tpu.memory_space<semaphore_mem>>) src(%dma_wait3A_210 : memref<1024xi32, #tpu.memory_space<hbm>>) dst(%arg11 : memref<1024xi32, #tpu.memory_space<vmem>>)
    %dma_wait3A_211 = arith.constant 0 : i32
    %dma_wait3A_212 = tpu.memref_slice %arg4[%add3A_30, %dma_wait3A_211, %add3A_69] : memref<8x2x19456xi32, #tpu.memory_space<hbm>> -> memref<1x1x1024xi32, #tpu.memory_space<hbm>>
    %dma_wait3A_213 = tpu.memref_squeeze %dma_wait3A_212 : memref<1x1x1024xi32, #tpu.memory_space<hbm>> -> memref<1024xi32, #tpu.memory_space<hbm>>
    %dma_wait3A_214 = tpu.memref_slice %arg4[%add3A_30, %dma_wait3A_211, %add3A_69] : memref<8x2x19456xi32, #tpu.memory_space<hbm>> -> memref<1x1x1024xi32, #tpu.memory_space<hbm>>
    %dma_wait3A_215 = tpu.memref_squeeze %dma_wait3A_214 : memref<1x1x1024xi32, #tpu.memory_space<hbm>> -> memref<1024xi32, #tpu.memory_space<hbm>>
    tpu.wait_dma2 semaphore(%arg27 : memref<!tpu.dma_semaphore, #tpu.memory_space<semaphore_mem>>) src(%dma_wait3A_215 : memref<1024xi32, #tpu.memory_space<hbm>>) dst(%arg12 : memref<1024xi32, #tpu.memory_space<vmem>>)
    %dma_wait3A_216 = arith.constant 1 : i32
    %dma_wait3A_217 = tpu.memref_slice %arg4[%add3A_30, %dma_wait3A_216, %add3A_78] : memref<8x2x19456xi32, #tpu.memory_space<hbm>> -> memref<1x1x1024xi32, #tpu.memory_space<hbm>>
    %dma_wait3A_218 = tpu.memref_squeeze %dma_wait3A_217 : memref<1x1x1024xi32, #tpu.memory_space<hbm>> -> memref<1024xi32, #tpu.memory_space<hbm>>
    %dma_wait3A_219 = tpu.memref_slice %arg4[%add3A_30, %dma_wait3A_216, %add3A_78] : memref<8x2x19456xi32, #tpu.memory_space<hbm>> -> memref<1x1x1024xi32, #tpu.memory_space<hbm>>
    %dma_wait3A_220 = tpu.memref_squeeze %dma_wait3A_219 : memref<1x1x1024xi32, #tpu.memory_space<hbm>> -> memref<1024xi32, #tpu.memory_space<hbm>>
    tpu.wait_dma2 semaphore(%arg27 : memref<!tpu.dma_semaphore, #tpu.memory_space<semaphore_mem>>) src(%dma_wait3A_220 : memref<1024xi32, #tpu.memory_space<hbm>>) dst(%arg13 : memref<1024xi32, #tpu.memory_space<vmem>>)
    %dma_wait3A_221 = arith.constant 0 : i32
    %dma_wait3A_222 = tpu.memref_slice %arg4[%add3A_30, %dma_wait3A_221, %add3A_87] : memref<8x2x19456xi32, #tpu.memory_space<hbm>> -> memref<1x1x1024xi32, #tpu.memory_space<hbm>>
    %dma_wait3A_223 = tpu.memref_squeeze %dma_wait3A_222 : memref<1x1x1024xi32, #tpu.memory_space<hbm>> -> memref<1024xi32, #tpu.memory_space<hbm>>
    %dma_wait3A_224 = tpu.memref_slice %arg4[%add3A_30, %dma_wait3A_221, %add3A_87] : memref<8x2x19456xi32, #tpu.memory_space<hbm>> -> memref<1x1x1024xi32, #tpu.memory_space<hbm>>
    %dma_wait3A_225 = tpu.memref_squeeze %dma_wait3A_224 : memref<1x1x1024xi32, #tpu.memory_space<hbm>> -> memref<1024xi32, #tpu.memory_space<hbm>>
    tpu.wait_dma2 semaphore(%arg27 : memref<!tpu.dma_semaphore, #tpu.memory_space<semaphore_mem>>) src(%dma_wait3A_225 : memref<1024xi32, #tpu.memory_space<hbm>>) dst(%arg14 : memref<1024xi32, #tpu.memory_space<vmem>>)
    %dma_wait3A_226 = arith.constant 1 : i32
    %dma_wait3A_227 = tpu.memref_slice %arg4[%add3A_30, %dma_wait3A_226, %add3A_96] : memref<8x2x19456xi32, #tpu.memory_space<hbm>> -> memref<1x1x1024xi32, #tpu.memory_space<hbm>>
    %dma_wait3A_228 = tpu.memref_squeeze %dma_wait3A_227 : memref<1x1x1024xi32, #tpu.memory_space<hbm>> -> memref<1024xi32, #tpu.memory_space<hbm>>
    %dma_wait3A_229 = tpu.memref_slice %arg4[%add3A_30, %dma_wait3A_226, %add3A_96] : memref<8x2x19456xi32, #tpu.memory_space<hbm>> -> memref<1x1x1024xi32, #tpu.memory_space<hbm>>
    %dma_wait3A_230 = tpu.memref_squeeze %dma_wait3A_229 : memref<1x1x1024xi32, #tpu.memory_space<hbm>> -> memref<1024xi32, #tpu.memory_space<hbm>>
    tpu.wait_dma2 semaphore(%arg27 : memref<!tpu.dma_semaphore, #tpu.memory_space<semaphore_mem>>) src(%dma_wait3A_230 : memref<1024xi32, #tpu.memory_space<hbm>>) dst(%arg15 : memref<1024xi32, #tpu.memory_space<vmem>>)
    %dma_wait3A_231 = arith.constant 0 : i32
    %dma_wait3A_232 = tpu.memref_slice %arg4[%add3A_30, %dma_wait3A_231, %add3A_105] : memref<8x2x19456xi32, #tpu.memory_space<hbm>> -> memref<1x1x256xi32, #tpu.memory_space<hbm>>
    %dma_wait3A_233 = tpu.memref_squeeze %dma_wait3A_232 : memref<1x1x256xi32, #tpu.memory_space<hbm>> -> memref<256xi32, #tpu.memory_space<hbm>>
    %dma_wait3A_234 = tpu.memref_slice %arg4[%add3A_30, %dma_wait3A_231, %add3A_105] : memref<8x2x19456xi32, #tpu.memory_space<hbm>> -> memref<1x1x256xi32, #tpu.memory_space<hbm>>
    %dma_wait3A_235 = tpu.memref_squeeze %dma_wait3A_234 : memref<1x1x256xi32, #tpu.memory_space<hbm>> -> memref<256xi32, #tpu.memory_space<hbm>>
    tpu.wait_dma2 semaphore(%arg27 : memref<!tpu.dma_semaphore, #tpu.memory_space<semaphore_mem>>) src(%dma_wait3A_235 : memref<256xi32, #tpu.memory_space<hbm>>) dst(%arg16 : memref<256xi32, #tpu.memory_space<vmem>>)
    %dma_wait3A_236 = arith.constant 1 : i32
    %dma_wait3A_237 = tpu.memref_slice %arg4[%add3A_30, %dma_wait3A_236, %add3A_114] : memref<8x2x19456xi32, #tpu.memory_space<hbm>> -> memref<1x1x256xi32, #tpu.memory_space<hbm>>
    %dma_wait3A_238 = tpu.memref_squeeze %dma_wait3A_237 : memref<1x1x256xi32, #tpu.memory_space<hbm>> -> memref<256xi32, #tpu.memory_space<hbm>>
    %dma_wait3A_239 = tpu.memref_slice %arg4[%add3A_30, %dma_wait3A_236, %add3A_114] : memref<8x2x19456xi32, #tpu.memory_space<hbm>> -> memref<1x1x256xi32, #tpu.memory_space<hbm>>
    %dma_wait3A_240 = tpu.memref_squeeze %dma_wait3A_239 : memref<1x1x256xi32, #tpu.memory_space<hbm>> -> memref<256xi32, #tpu.memory_space<hbm>>
    tpu.wait_dma2 semaphore(%arg27 : memref<!tpu.dma_semaphore, #tpu.memory_space<semaphore_mem>>) src(%dma_wait3A_240 : memref<256xi32, #tpu.memory_space<hbm>>) dst(%arg17 : memref<256xi32, #tpu.memory_space<vmem>>)
    %dma_wait3A_241 = arith.constant 0 : i32
    %dma_wait3A_242 = tpu.memref_slice %arg4[%add3A_30, %dma_wait3A_241, %add3A_123] : memref<8x2x19456xi32, #tpu.memory_space<hbm>> -> memref<1x1x256xi32, #tpu.memory_space<hbm>>
    %dma_wait3A_243 = tpu.memref_squeeze %dma_wait3A_242 : memref<1x1x256xi32, #tpu.memory_space<hbm>> -> memref<256xi32, #tpu.memory_space<hbm>>
    %dma_wait3A_244 = tpu.memref_slice %arg4[%add3A_30, %dma_wait3A_241, %add3A_123] : memref<8x2x19456xi32, #tpu.memory_space<hbm>> -> memref<1x1x256xi32, #tpu.memory_space<hbm>>
    %dma_wait3A_245 = tpu.memref_squeeze %dma_wait3A_244 : memref<1x1x256xi32, #tpu.memory_space<hbm>> -> memref<256xi32, #tpu.memory_space<hbm>>
    tpu.wait_dma2 semaphore(%arg27 : memref<!tpu.dma_semaphore, #tpu.memory_space<semaphore_mem>>) src(%dma_wait3A_245 : memref<256xi32, #tpu.memory_space<hbm>>) dst(%arg18 : memref<256xi32, #tpu.memory_space<vmem>>)
    %dma_wait3A_246 = arith.constant 1 : i32
    %dma_wait3A_247 = tpu.memref_slice %arg4[%add3A_30, %dma_wait3A_246, %add3A_132] : memref<8x2x19456xi32, #tpu.memory_space<hbm>> -> memref<1x1x256xi32, #tpu.memory_space<hbm>>
    %dma_wait3A_248 = tpu.memref_squeeze %dma_wait3A_247 : memref<1x1x256xi32, #tpu.memory_space<hbm>> -> memref<256xi32, #tpu.memory_space<hbm>>
    %dma_wait3A_249 = tpu.memref_slice %arg4[%add3A_30, %dma_wait3A_246, %add3A_132] : memref<8x2x19456xi32, #tpu.memory_space<hbm>> -> memref<1x1x256xi32, #tpu.memory_space<hbm>>
    %dma_wait3A_250 = tpu.memref_squeeze %dma_wait3A_249 : memref<1x1x256xi32, #tpu.memory_space<hbm>> -> memref<256xi32, #tpu.memory_space<hbm>>
    tpu.wait_dma2 semaphore(%arg27 : memref<!tpu.dma_semaphore, #tpu.memory_space<semaphore_mem>>) src(%dma_wait3A_250 : memref<256xi32, #tpu.memory_space<hbm>>) dst(%arg19 : memref<256xi32, #tpu.memory_space<vmem>>)
    %dma_wait3A_251 = arith.constant 0 : i32
    %dma_wait3A_252 = tpu.memref_slice %arg4[%add3A_30, %dma_wait3A_251, %add3A_141] : memref<8x2x19456xi32, #tpu.memory_space<hbm>> -> memref<1x1x128xi32, #tpu.memory_space<hbm>>
    %dma_wait3A_253 = tpu.memref_squeeze %dma_wait3A_252 : memref<1x1x128xi32, #tpu.memory_space<hbm>> -> memref<128xi32, #tpu.memory_space<hbm>>
    %dma_wait3A_254 = tpu.memref_slice %arg4[%add3A_30, %dma_wait3A_251, %add3A_141] : memref<8x2x19456xi32, #tpu.memory_space<hbm>> -> memref<1x1x128xi32, #tpu.memory_space<hbm>>
    %dma_wait3A_255 = tpu.memref_squeeze %dma_wait3A_254 : memref<1x1x128xi32, #tpu.memory_space<hbm>> -> memref<128xi32, #tpu.memory_space<hbm>>
    tpu.wait_dma2 semaphore(%arg27 : memref<!tpu.dma_semaphore, #tpu.memory_space<semaphore_mem>>) src(%dma_wait3A_255 : memref<128xi32, #tpu.memory_space<hbm>>) dst(%arg20 : memref<128xi32, #tpu.memory_space<vmem>>)
    %dma_wait3A_256 = arith.constant 1 : i32
    %dma_wait3A_257 = tpu.memref_slice %arg4[%add3A_30, %dma_wait3A_256, %add3A_150] : memref<8x2x19456xi32, #tpu.memory_space<hbm>> -> memref<1x1x128xi32, #tpu.memory_space<hbm>>
    %dma_wait3A_258 = tpu.memref_squeeze %dma_wait3A_257 : memref<1x1x128xi32, #tpu.memory_space<hbm>> -> memref<128xi32, #tpu.memory_space<hbm>>
    %dma_wait3A_259 = tpu.memref_slice %arg4[%add3A_30, %dma_wait3A_256, %add3A_150] : memref<8x2x19456xi32, #tpu.memory_space<hbm>> -> memref<1x1x128xi32, #tpu.memory_space<hbm>>
    %dma_wait3A_260 = tpu.memref_squeeze %dma_wait3A_259 : memref<1x1x128xi32, #tpu.memory_space<hbm>> -> memref<128xi32, #tpu.memory_space<hbm>>
    tpu.wait_dma2 semaphore(%arg27 : memref<!tpu.dma_semaphore, #tpu.memory_space<semaphore_mem>>) src(%dma_wait3A_260 : memref<128xi32, #tpu.memory_space<hbm>>) dst(%arg21 : memref<128xi32, #tpu.memory_space<vmem>>)
    %dma_wait3A_261 = arith.constant 0 : i32
    %dma_wait3A_262 = tpu.memref_slice %arg4[%add3A_30, %dma_wait3A_261, %add3A_159] : memref<8x2x19456xi32, #tpu.memory_space<hbm>> -> memref<1x1x128xi32, #tpu.memory_space<hbm>>
    %dma_wait3A_263 = tpu.memref_squeeze %dma_wait3A_262 : memref<1x1x128xi32, #tpu.memory_space<hbm>> -> memref<128xi32, #tpu.memory_space<hbm>>
    %dma_wait3A_264 = tpu.memref_slice %arg4[%add3A_30, %dma_wait3A_261, %add3A_159] : memref<8x2x19456xi32, #tpu.memory_space<hbm>> -> memref<1x1x128xi32, #tpu.memory_space<hbm>>
    %dma_wait3A_265 = tpu.memref_squeeze %dma_wait3A_264 : memref<1x1x128xi32, #tpu.memory_space<hbm>> -> memref<128xi32, #tpu.memory_space<hbm>>
    tpu.wait_dma2 semaphore(%arg27 : memref<!tpu.dma_semaphore, #tpu.memory_space<semaphore_mem>>) src(%dma_wait3A_265 : memref<128xi32, #tpu.memory_space<hbm>>) dst(%arg22 : memref<128xi32, #tpu.memory_space<vmem>>)
    %dma_wait3A_266 = arith.constant 1 : i32
    %dma_wait3A_267 = tpu.memref_slice %arg4[%add3A_30, %dma_wait3A_266, %add3A_168] : memref<8x2x19456xi32, #tpu.memory_space<hbm>> -> memref<1x1x128xi32, #tpu.memory_space<hbm>>
    %dma_wait3A_268 = tpu.memref_squeeze %dma_wait3A_267 : memref<1x1x128xi32, #tpu.memory_space<hbm>> -> memref<128xi32, #tpu.memory_space<hbm>>
    %dma_wait3A_269 = tpu.memref_slice %arg4[%add3A_30, %dma_wait3A_266, %add3A_168] : memref<8x2x19456xi32, #tpu.memory_space<hbm>> -> memref<1x1x128xi32, #tpu.memory_space<hbm>>
    %dma_wait3A_270 = tpu.memref_squeeze %dma_wait3A_269 : memref<1x1x128xi32, #tpu.memory_space<hbm>> -> memref<128xi32, #tpu.memory_space<hbm>>
    tpu.wait_dma2 semaphore(%arg27 : memref<!tpu.dma_semaphore, #tpu.memory_space<semaphore_mem>>) src(%dma_wait3A_270 : memref<128xi32, #tpu.memory_space<hbm>>) dst(%arg23 : memref<128xi32, #tpu.memory_space<vmem>>)
    %dma_wait3A_271 = arith.constant 0 : i32
    %dma_wait3A_272 = arith.constant 0 : i32
    %dma_wait3A_273 = arith.constant 0 : i32
    %dma_wait3A_274 = tpu.memref_slice %arg2[%add3A_30, %dma_wait3A_271, %dma_wait3A_272, %dma_wait3A_273] : memref<8x1x224x224xf32, #tpu.memory_space<hbm>> -> memref<1x1x224x224xf32, #tpu.memory_space<hbm>>
    %dma_wait3A_275 = tpu.memref_squeeze %dma_wait3A_274 : memref<1x1x224x224xf32, #tpu.memory_space<hbm>> -> memref<224x224xf32, #tpu.memory_space<hbm>>
    %dma_wait3A_276 = arith.constant 0 : i32
    %dma_wait3A_277 = arith.constant 0 : i32
    %dma_wait3A_278 = tpu.memref_slice %arg2[%add3A_30, %dma_wait3A_271, %dma_wait3A_276, %dma_wait3A_277] : memref<8x1x224x224xf32, #tpu.memory_space<hbm>> -> memref<1x1x224x224xf32, #tpu.memory_space<hbm>>
    %dma_wait3A_279 = tpu.memref_squeeze %dma_wait3A_278 : memref<1x1x224x224xf32, #tpu.memory_space<hbm>> -> memref<224x224xf32, #tpu.memory_space<hbm>>
    tpu.wait_dma2 semaphore(%arg27 : memref<!tpu.dma_semaphore, #tpu.memory_space<semaphore_mem>>) src(%dma_wait3A_279 : memref<224x224xf32, #tpu.memory_space<hbm>>) dst(%arg6 : memref<224x224xf32, #tpu.memory_space<vmem>>)
    %broadcast_in_dim3A = arith.constant 0.000000e+00 : f32
    %broadcast_in_dim3A_280 = vector.broadcast %broadcast_in_dim3A : f32 to vector<16xf32>
    %scan3A = arith.constant 0 : i32
    %scan3A_281 = arith.constant 16 : i32
    %scan3A_282 = arith.addi %scan3A, %scan3A_281 : i32
    %scan3A_283 = arith.constant 2 : i32
    %scan3A_284 = scf.for %scan3A_317 = %scan3A to %scan3A_282 step %scan3A_283 iter_args(%scan3A_318 = %broadcast_in_dim3A_280) -> (vector<16xf32>)  : i32 {
      %mul3A_319 = arith.constant 16 : i32
      %mul3A_320 = arith.muli %scan3A_317, %mul3A_319 : i32
      %get3A = arith.index_cast %mul3A_320 : i32 to index
      %get3A_321 = tpu.vector_load %arg16[%get3A] {strides = array<i32>} : memref<256xi32, #tpu.memory_space<vmem>>, vector<16xi32>,
      %get3A_322 = arith.index_cast %mul3A_320 : i32 to index
      %get3A_323 = tpu.vector_load %arg17[%get3A_322] {strides = array<i32>} : memref<256xi32, #tpu.memory_space<vmem>>, vector<16xi32>,
      %gather3A = tpu.vector_load_idx %arg6[%get3A_321, %get3A_323] : memref<224x224xf32, #tpu.memory_space<vmem>>[vector<16xi32>, vector<16xi32>], vector<16xf32>,
      %neg3A = arith.constant 0.000000e+00 : f32
      %neg3A_324 = vector.broadcast %neg3A : f32 to vector<16xf32>
      %neg3A_325 = arith.subf %neg3A_324, %gather3A : vector<16xf32>
      %exp3A = math.exp %neg3A_325 : vector<16xf32>
      %add3A_326 = arith.constant 1.000000e+00 : f32
      %add3A_327 = vector.broadcast %add3A_326 : f32 to vector<16xf32>
      %add3A_328 = arith.addf %add3A_327, %exp3A : vector<16xf32>
      %div3A_329 = arith.constant 1.000000e+00 : f32
      %div3A_330 = vector.broadcast %div3A_329 : f32 to vector<16xf32>
      %div3A_331 = arith.divf %div3A_330, %add3A_328 : vector<16xf32>
      %get3A_332 = arith.index_cast %mul3A_320 : i32 to index
      %get3A_333 = tpu.vector_load %arg18[%get3A_332] {strides = array<i32>} : memref<256xi32, #tpu.memory_space<vmem>>, vector<16xi32>,
      %get3A_334 = arith.index_cast %mul3A_320 : i32 to index
      %get3A_335 = tpu.vector_load %arg19[%get3A_334] {strides = array<i32>} : memref<256xi32, #tpu.memory_space<vmem>>, vector<16xi32>,
      %gather3A_336 = tpu.vector_load_idx %arg6[%get3A_333, %get3A_335] : memref<224x224xf32, #tpu.memory_space<vmem>>[vector<16xi32>, vector<16xi32>], vector<16xf32>,
      %neg3A_337 = arith.constant 0.000000e+00 : f32
      %neg3A_338 = vector.broadcast %neg3A_337 : f32 to vector<16xf32>
      %neg3A_339 = arith.subf %neg3A_338, %gather3A_336 : vector<16xf32>
      %exp3A_340 = math.exp %neg3A_339 : vector<16xf32>
      %add3A_341 = arith.constant 1.000000e+00 : f32
      %add3A_342 = vector.broadcast %add3A_341 : f32 to vector<16xf32>
      %add3A_343 = arith.addf %add3A_342, %exp3A_340 : vector<16xf32>
      %div3A_344 = arith.constant 1.000000e+00 : f32
      %div3A_345 = vector.broadcast %div3A_344 : f32 to vector<16xf32>
      %div3A_346 = arith.divf %div3A_345, %add3A_343 : vector<16xf32>
      %sub3A_347 = arith.subf %div3A_331, %div3A_346 : vector<16xf32>
      %mul3A_348 = arith.mulf %sub3A_347, %sub3A_347 : vector<16xf32>
      %add3A_349 = arith.addf %scan3A_318, %mul3A_348 : vector<16xf32>
      %scan3A_350 = arith.constant 1 : i32
      %scan3A_351 = arith.addi %scan3A_317, %scan3A_350 : i32
      %mul3A_352 = arith.constant 16 : i32
      %mul3A_353 = arith.muli %scan3A_351, %mul3A_352 : i32
      %get3A_354 = arith.index_cast %mul3A_353 : i32 to index
      %get3A_355 = tpu.vector_load %arg16[%get3A_354] {strides = array<i32>} : memref<256xi32, #tpu.memory_space<vmem>>, vector<16xi32>,
      %get3A_356 = arith.index_cast %mul3A_353 : i32 to index
      %get3A_357 = tpu.vector_load %arg17[%get3A_356] {strides = array<i32>} : memref<256xi32, #tpu.memory_space<vmem>>, vector<16xi32>,
      %gather3A_358 = tpu.vector_load_idx %arg6[%get3A_355, %get3A_357] : memref<224x224xf32, #tpu.memory_space<vmem>>[vector<16xi32>, vector<16xi32>], vector<16xf32>,
      %neg3A_359 = arith.constant 0.000000e+00 : f32
      %neg3A_360 = vector.broadcast %neg3A_359 : f32 to vector<16xf32>
      %neg3A_361 = arith.subf %neg3A_360, %gather3A_358 : vector<16xf32>
      %exp3A_362 = math.exp %neg3A_361 : vector<16xf32>
      %add3A_363 = arith.constant 1.000000e+00 : f32
      %add3A_364 = vector.broadcast %add3A_363 : f32 to vector<16xf32>
      %add3A_365 = arith.addf %add3A_364, %exp3A_362 : vector<16xf32>
      %div3A_366 = arith.constant 1.000000e+00 : f32
      %div3A_367 = vector.broadcast %div3A_366 : f32 to vector<16xf32>
      %div3A_368 = arith.divf %div3A_367, %add3A_365 : vector<16xf32>
      %get3A_369 = arith.index_cast %mul3A_353 : i32 to index
      %get3A_370 = tpu.vector_load %arg18[%get3A_369] {strides = array<i32>} : memref<256xi32, #tpu.memory_space<vmem>>, vector<16xi32>,
      %get3A_371 = arith.index_cast %mul3A_353 : i32 to index
      %get3A_372 = tpu.vector_load %arg19[%get3A_371] {strides = array<i32>} : memref<256xi32, #tpu.memory_space<vmem>>, vector<16xi32>,
      %gather3A_373 = tpu.vector_load_idx %arg6[%get3A_370, %get3A_372] : memref<224x224xf32, #tpu.memory_space<vmem>>[vector<16xi32>, vector<16xi32>], vector<16xf32>,
      %neg3A_374 = arith.constant 0.000000e+00 : f32
      %neg3A_375 = vector.broadcast %neg3A_374 : f32 to vector<16xf32>
      %neg3A_376 = arith.subf %neg3A_375, %gather3A_373 : vector<16xf32>
      %exp3A_377 = math.exp %neg3A_376 : vector<16xf32>
      %add3A_378 = arith.constant 1.000000e+00 : f32
      %add3A_379 = vector.broadcast %add3A_378 : f32 to vector<16xf32>
      %add3A_380 = arith.addf %add3A_379, %exp3A_377 : vector<16xf32>
      %div3A_381 = arith.constant 1.000000e+00 : f32
      %div3A_382 = vector.broadcast %div3A_381 : f32 to vector<16xf32>
      %div3A_383 = arith.divf %div3A_382, %add3A_380 : vector<16xf32>
      %sub3A_384 = arith.subf %div3A_368, %div3A_383 : vector<16xf32>
      %mul3A_385 = arith.mulf %sub3A_384, %sub3A_384 : vector<16xf32>
      %add3A_386 = arith.addf %add3A_349, %mul3A_385 : vector<16xf32>
      scf.yield %add3A_386 : vector<16xf32>
    }
    %scan3A_285 = arith.constant 16 : i32
    %dma_wait3A_286 = arith.constant 0 : i32
    %dma_wait3A_287 = arith.constant 0 : i32
    %dma_wait3A_288 = arith.constant 0 : i32
    %dma_wait3A_289 = tpu.memref_slice %arg3[%add3A_30, %dma_wait3A_286, %dma_wait3A_287, %dma_wait3A_288] : memref<8x1x224x224xf32, #tpu.memory_space<hbm>> -> memref<1x1x224x224xf32, #tpu.memory_space<hbm>>
    %dma_wait3A_290 = tpu.memref_squeeze %dma_wait3A_289 : memref<1x1x224x224xf32, #tpu.memory_space<hbm>> -> memref<224x224xf32, #tpu.memory_space<hbm>>
    %dma_wait3A_291 = arith.constant 0 : i32
    %dma_wait3A_292 = arith.constant 0 : i32
    %dma_wait3A_293 = tpu.memref_slice %arg3[%add3A_30, %dma_wait3A_286, %dma_wait3A_291, %dma_wait3A_292] : memref<8x1x224x224xf32, #tpu.memory_space<hbm>> -> memref<1x1x224x224xf32, #tpu.memory_space<hbm>>
    %dma_wait3A_294 = tpu.memref_squeeze %dma_wait3A_293 : memref<1x1x224x224xf32, #tpu.memory_space<hbm>> -> memref<224x224xf32, #tpu.memory_space<hbm>>
    tpu.wait_dma2 semaphore(%arg27 : memref<!tpu.dma_semaphore, #tpu.memory_space<semaphore_mem>>) src(%dma_wait3A_294 : memref<224x224xf32, #tpu.memory_space<hbm>>) dst(%arg7 : memref<224x224xf32, #tpu.memory_space<vmem>>)
    %broadcast_in_dim3A_295 = arith.constant 0.000000e+00 : f32
    %broadcast_in_dim3A_296 = vector.broadcast %broadcast_in_dim3A_295 : f32 to vector<16xf32>
    %scan3A_297 = arith.constant 0 : i32
    %scan3A_298 = arith.constant 64 : i32
    %scan3A_299 = arith.addi %scan3A_297, %scan3A_298 : i32
    %scan3A_300 = arith.constant 4 : i32
    %scan3A_301 = scf.for %scan3A_317 = %scan3A_297 to %scan3A_299 step %scan3A_300 iter_args(%scan3A_318 = %broadcast_in_dim3A_296) -> (vector<16xf32>)  : i32 {
      %mul3A_319 = arith.constant 16 : i32
      %mul3A_320 = arith.muli %scan3A_317, %mul3A_319 : i32
      %get3A = arith.index_cast %mul3A_320 : i32 to index
      %get3A_321 = tpu.vector_load %arg8[%get3A] {strides = array<i32>} : memref<1024xi32, #tpu.memory_space<vmem>>, vector<16xi32>,
      %get3A_322 = arith.index_cast %mul3A_320 : i32 to index
      %get3A_323 = tpu.vector_load %arg9[%get3A_322] {strides = array<i32>} : memref<1024xi32, #tpu.memory_space<vmem>>, vector<16xi32>,
      %gather3A = tpu.vector_load_idx %arg6[%get3A_321, %get3A_323] : memref<224x224xf32, #tpu.memory_space<vmem>>[vector<16xi32>, vector<16xi32>], vector<16xf32>,
      %neg3A = arith.constant 0.000000e+00 : f32
      %neg3A_324 = vector.broadcast %neg3A : f32 to vector<16xf32>
      %neg3A_325 = arith.subf %neg3A_324, %gather3A : vector<16xf32>
      %exp3A = math.exp %neg3A_325 : vector<16xf32>
      %add3A_326 = arith.constant 1.000000e+00 : f32
      %add3A_327 = vector.broadcast %add3A_326 : f32 to vector<16xf32>
      %add3A_328 = arith.addf %add3A_327, %exp3A : vector<16xf32>
      %div3A_329 = arith.constant 1.000000e+00 : f32
      %div3A_330 = vector.broadcast %div3A_329 : f32 to vector<16xf32>
      %div3A_331 = arith.divf %div3A_330, %add3A_328 : vector<16xf32>
      %get3A_332 = arith.index_cast %mul3A_320 : i32 to index
      %get3A_333 = tpu.vector_load %arg12[%get3A_332] {strides = array<i32>} : memref<1024xi32, #tpu.memory_space<vmem>>, vector<16xi32>,
      %get3A_334 = arith.index_cast %mul3A_320 : i32 to index
      %get3A_335 = tpu.vector_load %arg13[%get3A_334] {strides = array<i32>} : memref<1024xi32, #tpu.memory_space<vmem>>, vector<16xi32>,
      %gather3A_336 = tpu.vector_load_idx %arg7[%get3A_333, %get3A_335] : memref<224x224xf32, #tpu.memory_space<vmem>>[vector<16xi32>, vector<16xi32>], vector<16xf32>,
      %sub3A_337 = arith.subf %div3A_331, %gather3A_336 : vector<16xf32>
      %get3A_338 = arith.index_cast %mul3A_320 : i32 to index
      %get3A_339 = tpu.vector_load %arg10[%get3A_338] {strides = array<i32>} : memref<1024xi32, #tpu.memory_space<vmem>>, vector<16xi32>,
      %get3A_340 = arith.index_cast %mul3A_320 : i32 to index
      %get3A_341 = tpu.vector_load %arg11[%get3A_340] {strides = array<i32>} : memref<1024xi32, #tpu.memory_space<vmem>>, vector<16xi32>,
      %gather3A_342 = tpu.vector_load_idx %arg6[%get3A_339, %get3A_341] : memref<224x224xf32, #tpu.memory_space<vmem>>[vector<16xi32>, vector<16xi32>], vector<16xf32>,
      %neg3A_343 = arith.constant 0.000000e+00 : f32
      %neg3A_344 = vector.broadcast %neg3A_343 : f32 to vector<16xf32>
      %neg3A_345 = arith.subf %neg3A_344, %gather3A_342 : vector<16xf32>
      %exp3A_346 = math.exp %neg3A_345 : vector<16xf32>
      %add3A_347 = arith.constant 1.000000e+00 : f32
      %add3A_348 = vector.broadcast %add3A_347 : f32 to vector<16xf32>
      %add3A_349 = arith.addf %add3A_348, %exp3A_346 : vector<16xf32>
      %div3A_350 = arith.constant 1.000000e+00 : f32
      %div3A_351 = vector.broadcast %div3A_350 : f32 to vector<16xf32>
      %div3A_352 = arith.divf %div3A_351, %add3A_349 : vector<16xf32>
      %get3A_353 = arith.index_cast %mul3A_320 : i32 to index
      %get3A_354 = tpu.vector_load %arg14[%get3A_353] {strides = array<i32>} : memref<1024xi32, #tpu.memory_space<vmem>>, vector<16xi32>,
      %get3A_355 = arith.index_cast %mul3A_320 : i32 to index
      %get3A_356 = tpu.vector_load %arg15[%get3A_355] {strides = array<i32>} : memref<1024xi32, #tpu.memory_space<vmem>>, vector<16xi32>,
      %gather3A_357 = tpu.vector_load_idx %arg7[%get3A_354, %get3A_356] : memref<224x224xf32, #tpu.memory_space<vmem>>[vector<16xi32>, vector<16xi32>], vector<16xf32>,
      %sub3A_358 = arith.subf %div3A_352, %gather3A_357 : vector<16xf32>
      %mul3A_359 = arith.mulf %sub3A_337, %sub3A_337 : vector<16xf32>
      %mul3A_360 = arith.mulf %sub3A_358, %sub3A_358 : vector<16xf32>
      %add3A_361 = arith.addf %mul3A_359, %mul3A_360 : vector<16xf32>
      %add3A_362 = arith.addf %scan3A_318, %add3A_361 : vector<16xf32>
      %scan3A_363 = arith.constant 1 : i32
      %scan3A_364 = arith.addi %scan3A_317, %scan3A_363 : i32
      %mul3A_365 = arith.constant 16 : i32
      %mul3A_366 = arith.muli %scan3A_364, %mul3A_365 : i32
      %get3A_367 = arith.index_cast %mul3A_366 : i32 to index
      %get3A_368 = tpu.vector_load %arg8[%get3A_367] {strides = array<i32>} : memref<1024xi32, #tpu.memory_space<vmem>>, vector<16xi32>,
      %get3A_369 = arith.index_cast %mul3A_366 : i32 to index
      %get3A_370 = tpu.vector_load %arg9[%get3A_369] {strides = array<i32>} : memref<1024xi32, #tpu.memory_space<vmem>>, vector<16xi32>,
      %gather3A_371 = tpu.vector_load_idx %arg6[%get3A_368, %get3A_370] : memref<224x224xf32, #tpu.memory_space<vmem>>[vector<16xi32>, vector<16xi32>], vector<16xf32>,
      %neg3A_372 = arith.constant 0.000000e+00 : f32
      %neg3A_373 = vector.broadcast %neg3A_372 : f32 to vector<16xf32>
      %neg3A_374 = arith.subf %neg3A_373, %gather3A_371 : vector<16xf32>
      %exp3A_375 = math.exp %neg3A_374 : vector<16xf32>
      %add3A_376 = arith.constant 1.000000e+00 : f32
      %add3A_377 = vector.broadcast %add3A_376 : f32 to vector<16xf32>
      %add3A_378 = arith.addf %add3A_377, %exp3A_375 : vector<16xf32>
      %div3A_379 = arith.constant 1.000000e+00 : f32
      %div3A_380 = vector.broadcast %div3A_379 : f32 to vector<16xf32>
      %div3A_381 = arith.divf %div3A_380, %add3A_378 : vector<16xf32>
      %get3A_382 = arith.index_cast %mul3A_366 : i32 to index
      %get3A_383 = tpu.vector_load %arg12[%get3A_382] {strides = array<i32>} : memref<1024xi32, #tpu.memory_space<vmem>>, vector<16xi32>,
      %get3A_384 = arith.index_cast %mul3A_366 : i32 to index
      %get3A_385 = tpu.vector_load %arg13[%get3A_384] {strides = array<i32>} : memref<1024xi32, #tpu.memory_space<vmem>>, vector<16xi32>,
      %gather3A_386 = tpu.vector_load_idx %arg7[%get3A_383, %get3A_385] : memref<224x224xf32, #tpu.memory_space<vmem>>[vector<16xi32>, vector<16xi32>], vector<16xf32>,
      %sub3A_387 = arith.subf %div3A_381, %gather3A_386 : vector<16xf32>
      %get3A_388 = arith.index_cast %mul3A_366 : i32 to index
      %get3A_389 = tpu.vector_load %arg10[%get3A_388] {strides = array<i32>} : memref<1024xi32, #tpu.memory_space<vmem>>, vector<16xi32>,
      %get3A_390 = arith.index_cast %mul3A_366 : i32 to index
      %get3A_391 = tpu.vector_load %arg11[%get3A_390] {strides = array<i32>} : memref<1024xi32, #tpu.memory_space<vmem>>, vector<16xi32>,
      %gather3A_392 = tpu.vector_load_idx %arg6[%get3A_389, %get3A_391] : memref<224x224xf32, #tpu.memory_space<vmem>>[vector<16xi32>, vector<16xi32>], vector<16xf32>,
      %neg3A_393 = arith.constant 0.000000e+00 : f32
      %neg3A_394 = vector.broadcast %neg3A_393 : f32 to vector<16xf32>
      %neg3A_395 = arith.subf %neg3A_394, %gather3A_392 : vector<16xf32>
      %exp3A_396 = math.exp %neg3A_395 : vector<16xf32>
      %add3A_397 = arith.constant 1.000000e+00 : f32
      %add3A_398 = vector.broadcast %add3A_397 : f32 to vector<16xf32>
      %add3A_399 = arith.addf %add3A_398, %exp3A_396 : vector<16xf32>
      %div3A_400 = arith.constant 1.000000e+00 : f32
      %div3A_401 = vector.broadcast %div3A_400 : f32 to vector<16xf32>
      %div3A_402 = arith.divf %div3A_401, %add3A_399 : vector<16xf32>
      %get3A_403 = arith.index_cast %mul3A_366 : i32 to index
      %get3A_404 = tpu.vector_load %arg14[%get3A_403] {strides = array<i32>} : memref<1024xi32, #tpu.memory_space<vmem>>, vector<16xi32>,
      %get3A_405 = arith.index_cast %mul3A_366 : i32 to index
      %get3A_406 = tpu.vector_load %arg15[%get3A_405] {strides = array<i32>} : memref<1024xi32, #tpu.memory_space<vmem>>, vector<16xi32>,
      %gather3A_407 = tpu.vector_load_idx %arg7[%get3A_404, %get3A_406] : memref<224x224xf32, #tpu.memory_space<vmem>>[vector<16xi32>, vector<16xi32>], vector<16xf32>,
      %sub3A_408 = arith.subf %div3A_402, %gather3A_407 : vector<16xf32>
      %mul3A_409 = arith.mulf %sub3A_387, %sub3A_387 : vector<16xf32>
      %mul3A_410 = arith.mulf %sub3A_408, %sub3A_408 : vector<16xf32>
      %add3A_411 = arith.addf %mul3A_409, %mul3A_410 : vector<16xf32>
      %add3A_412 = arith.addf %add3A_362, %add3A_411 : vector<16xf32>
      %scan3A_413 = arith.constant 2 : i32
      %scan3A_414 = arith.addi %scan3A_317, %scan3A_413 : i32
      %mul3A_415 = arith.constant 16 : i32
      %mul3A_416 = arith.muli %scan3A_414, %mul3A_415 : i32
      %get3A_417 = arith.index_cast %mul3A_416 : i32 to index
      %get3A_418 = tpu.vector_load %arg8[%get3A_417] {strides = array<i32>} : memref<1024xi32, #tpu.memory_space<vmem>>, vector<16xi32>,
      %get3A_419 = arith.index_cast %mul3A_416 : i32 to index
      %get3A_420 = tpu.vector_load %arg9[%get3A_419] {strides = array<i32>} : memref<1024xi32, #tpu.memory_space<vmem>>, vector<16xi32>,
      %gather3A_421 = tpu.vector_load_idx %arg6[%get3A_418, %get3A_420] : memref<224x224xf32, #tpu.memory_space<vmem>>[vector<16xi32>, vector<16xi32>], vector<16xf32>,
      %neg3A_422 = arith.constant 0.000000e+00 : f32
      %neg3A_423 = vector.broadcast %neg3A_422 : f32 to vector<16xf32>
      %neg3A_424 = arith.subf %neg3A_423, %gather3A_421 : vector<16xf32>
      %exp3A_425 = math.exp %neg3A_424 : vector<16xf32>
      %add3A_426 = arith.constant 1.000000e+00 : f32
      %add3A_427 = vector.broadcast %add3A_426 : f32 to vector<16xf32>
      %add3A_428 = arith.addf %add3A_427, %exp3A_425 : vector<16xf32>
      %div3A_429 = arith.constant 1.000000e+00 : f32
      %div3A_430 = vector.broadcast %div3A_429 : f32 to vector<16xf32>
      %div3A_431 = arith.divf %div3A_430, %add3A_428 : vector<16xf32>
      %get3A_432 = arith.index_cast %mul3A_416 : i32 to index
      %get3A_433 = tpu.vector_load %arg12[%get3A_432] {strides = array<i32>} : memref<1024xi32, #tpu.memory_space<vmem>>, vector<16xi32>,
      %get3A_434 = arith.index_cast %mul3A_416 : i32 to index
      %get3A_435 = tpu.vector_load %arg13[%get3A_434] {strides = array<i32>} : memref<1024xi32, #tpu.memory_space<vmem>>, vector<16xi32>,
      %gather3A_436 = tpu.vector_load_idx %arg7[%get3A_433, %get3A_435] : memref<224x224xf32, #tpu.memory_space<vmem>>[vector<16xi32>, vector<16xi32>], vector<16xf32>,
      %sub3A_437 = arith.subf %div3A_431, %gather3A_436 : vector<16xf32>
      %get3A_438 = arith.index_cast %mul3A_416 : i32 to index
      %get3A_439 = tpu.vector_load %arg10[%get3A_438] {strides = array<i32>} : memref<1024xi32, #tpu.memory_space<vmem>>, vector<16xi32>,
      %get3A_440 = arith.index_cast %mul3A_416 : i32 to index
      %get3A_441 = tpu.vector_load %arg11[%get3A_440] {strides = array<i32>} : memref<1024xi32, #tpu.memory_space<vmem>>, vector<16xi32>,
      %gather3A_442 = tpu.vector_load_idx %arg6[%get3A_439, %get3A_441] : memref<224x224xf32, #tpu.memory_space<vmem>>[vector<16xi32>, vector<16xi32>], vector<16xf32>,
      %neg3A_443 = arith.constant 0.000000e+00 : f32
      %neg3A_444 = vector.broadcast %neg3A_443 : f32 to vector<16xf32>
      %neg3A_445 = arith.subf %neg3A_444, %gather3A_442 : vector<16xf32>
      %exp3A_446 = math.exp %neg3A_445 : vector<16xf32>
      %add3A_447 = arith.constant 1.000000e+00 : f32
      %add3A_448 = vector.broadcast %add3A_447 : f32 to vector<16xf32>
      %add3A_449 = arith.addf %add3A_448, %exp3A_446 : vector<16xf32>
      %div3A_450 = arith.constant 1.000000e+00 : f32
      %div3A_451 = vector.broadcast %div3A_450 : f32 to vector<16xf32>
      %div3A_452 = arith.divf %div3A_451, %add3A_449 : vector<16xf32>
      %get3A_453 = arith.index_cast %mul3A_416 : i32 to index
      %get3A_454 = tpu.vector_load %arg14[%get3A_453] {strides = array<i32>} : memref<1024xi32, #tpu.memory_space<vmem>>, vector<16xi32>,
      %get3A_455 = arith.index_cast %mul3A_416 : i32 to index
      %get3A_456 = tpu.vector_load %arg15[%get3A_455] {strides = array<i32>} : memref<1024xi32, #tpu.memory_space<vmem>>, vector<16xi32>,
      %gather3A_457 = tpu.vector_load_idx %arg7[%get3A_454, %get3A_456] : memref<224x224xf32, #tpu.memory_space<vmem>>[vector<16xi32>, vector<16xi32>], vector<16xf32>,
      %sub3A_458 = arith.subf %div3A_452, %gather3A_457 : vector<16xf32>
      %mul3A_459 = arith.mulf %sub3A_437, %sub3A_437 : vector<16xf32>
      %mul3A_460 = arith.mulf %sub3A_458, %sub3A_458 : vector<16xf32>
      %add3A_461 = arith.addf %mul3A_459, %mul3A_460 : vector<16xf32>
      %add3A_462 = arith.addf %add3A_412, %add3A_461 : vector<16xf32>
      %scan3A_463 = arith.constant 3 : i32
      %scan3A_464 = arith.addi %scan3A_317, %scan3A_463 : i32
      %mul3A_465 = arith.constant 16 : i32
      %mul3A_466 = arith.muli %scan3A_464, %mul3A_465 : i32
      %get3A_467 = arith.index_cast %mul3A_466 : i32 to index
      %get3A_468 = tpu.vector_load %arg8[%get3A_467] {strides = array<i32>} : memref<1024xi32, #tpu.memory_space<vmem>>, vector<16xi32>,
      %get3A_469 = arith.index_cast %mul3A_466 : i32 to index
      %get3A_470 = tpu.vector_load %arg9[%get3A_469] {strides = array<i32>} : memref<1024xi32, #tpu.memory_space<vmem>>, vector<16xi32>,
      %gather3A_471 = tpu.vector_load_idx %arg6[%get3A_468, %get3A_470] : memref<224x224xf32, #tpu.memory_space<vmem>>[vector<16xi32>, vector<16xi32>], vector<16xf32>,
      %neg3A_472 = arith.constant 0.000000e+00 : f32
      %neg3A_473 = vector.broadcast %neg3A_472 : f32 to vector<16xf32>
      %neg3A_474 = arith.subf %neg3A_473, %gather3A_471 : vector<16xf32>
      %exp3A_475 = math.exp %neg3A_474 : vector<16xf32>
      %add3A_476 = arith.constant 1.000000e+00 : f32
      %add3A_477 = vector.broadcast %add3A_476 : f32 to vector<16xf32>
      %add3A_478 = arith.addf %add3A_477, %exp3A_475 : vector<16xf32>
      %div3A_479 = arith.constant 1.000000e+00 : f32
      %div3A_480 = vector.broadcast %div3A_479 : f32 to vector<16xf32>
      %div3A_481 = arith.divf %div3A_480, %add3A_478 : vector<16xf32>
      %get3A_482 = arith.index_cast %mul3A_466 : i32 to index
      %get3A_483 = tpu.vector_load %arg12[%get3A_482] {strides = array<i32>} : memref<1024xi32, #tpu.memory_space<vmem>>, vector<16xi32>,
      %get3A_484 = arith.index_cast %mul3A_466 : i32 to index
      %get3A_485 = tpu.vector_load %arg13[%get3A_484] {strides = array<i32>} : memref<1024xi32, #tpu.memory_space<vmem>>, vector<16xi32>,
      %gather3A_486 = tpu.vector_load_idx %arg7[%get3A_483, %get3A_485] : memref<224x224xf32, #tpu.memory_space<vmem>>[vector<16xi32>, vector<16xi32>], vector<16xf32>,
      %sub3A_487 = arith.subf %div3A_481, %gather3A_486 : vector<16xf32>
      %get3A_488 = arith.index_cast %mul3A_466 : i32 to index
      %get3A_489 = tpu.vector_load %arg10[%get3A_488] {strides = array<i32>} : memref<1024xi32, #tpu.memory_space<vmem>>, vector<16xi32>,
      %get3A_490 = arith.index_cast %mul3A_466 : i32 to index
      %get3A_491 = tpu.vector_load %arg11[%get3A_490] {strides = array<i32>} : memref<1024xi32, #tpu.memory_space<vmem>>, vector<16xi32>,
      %gather3A_492 = tpu.vector_load_idx %arg6[%get3A_489, %get3A_491] : memref<224x224xf32, #tpu.memory_space<vmem>>[vector<16xi32>, vector<16xi32>], vector<16xf32>,
      %neg3A_493 = arith.constant 0.000000e+00 : f32
      %neg3A_494 = vector.broadcast %neg3A_493 : f32 to vector<16xf32>
      %neg3A_495 = arith.subf %neg3A_494, %gather3A_492 : vector<16xf32>
      %exp3A_496 = math.exp %neg3A_495 : vector<16xf32>
      %add3A_497 = arith.constant 1.000000e+00 : f32
      %add3A_498 = vector.broadcast %add3A_497 : f32 to vector<16xf32>
      %add3A_499 = arith.addf %add3A_498, %exp3A_496 : vector<16xf32>
      %div3A_500 = arith.constant 1.000000e+00 : f32
      %div3A_501 = vector.broadcast %div3A_500 : f32 to vector<16xf32>
      %div3A_502 = arith.divf %div3A_501, %add3A_499 : vector<16xf32>
      %get3A_503 = arith.index_cast %mul3A_466 : i32 to index
      %get3A_504 = tpu.vector_load %arg14[%get3A_503] {strides = array<i32>} : memref<1024xi32, #tpu.memory_space<vmem>>, vector<16xi32>,
      %get3A_505 = arith.index_cast %mul3A_466 : i32 to index
      %get3A_506 = tpu.vector_load %arg15[%get3A_505] {strides = array<i32>} : memref<1024xi32, #tpu.memory_space<vmem>>, vector<16xi32>,
      %gather3A_507 = tpu.vector_load_idx %arg7[%get3A_504, %get3A_506] : memref<224x224xf32, #tpu.memory_space<vmem>>[vector<16xi32>, vector<16xi32>], vector<16xf32>,
      %sub3A_508 = arith.subf %div3A_502, %gather3A_507 : vector<16xf32>
      %mul3A_509 = arith.mulf %sub3A_487, %sub3A_487 : vector<16xf32>
      %mul3A_510 = arith.mulf %sub3A_508, %sub3A_508 : vector<16xf32>
      %add3A_511 = arith.addf %mul3A_509, %mul3A_510 : vector<16xf32>
      %add3A_512 = arith.addf %add3A_462, %add3A_511 : vector<16xf32>
      scf.yield %add3A_512 : vector<16xf32>
    }
    %scan3A_302 = arith.constant 64 : i32
    %add3A_303 = arith.addf %scan3A_301, %scan3A_301 : vector<16xf32>
    %add3A_304 = arith.addf %add3A_303, %scan3A_284 : vector<16xf32>
    %scan3A_305 = arith.constant 0 : i32
    %scan3A_306 = arith.constant 8 : i32
    %scan3A_307 = arith.addi %scan3A_305, %scan3A_306 : i32
    %scan3A_308 = arith.constant 2 : i32
    %scan3A_309 = scf.for %scan3A_317 = %scan3A_305 to %scan3A_307 step %scan3A_308 iter_args(%scan3A_318 = %add3A_304) -> (vector<16xf32>)  : i32 {
      %mul3A_319 = arith.constant 16 : i32
      %mul3A_320 = arith.muli %scan3A_317, %mul3A_319 : i32
      %get3A = arith.index_cast %mul3A_320 : i32 to index
      %get3A_321 = tpu.vector_load %arg20[%get3A] {strides = array<i32>} : memref<128xi32, #tpu.memory_space<vmem>>, vector<16xi32>,
      %get3A_322 = arith.index_cast %mul3A_320 : i32 to index
      %get3A_323 = tpu.vector_load %arg21[%get3A_322] {strides = array<i32>} : memref<128xi32, #tpu.memory_space<vmem>>, vector<16xi32>,
      %gather3A = tpu.vector_load_idx %arg7[%get3A_321, %get3A_323] : memref<224x224xf32, #tpu.memory_space<vmem>>[vector<16xi32>, vector<16xi32>], vector<16xf32>,
      %get3A_324 = arith.index_cast %mul3A_320 : i32 to index
      %get3A_325 = tpu.vector_load %arg22[%get3A_324] {strides = array<i32>} : memref<128xi32, #tpu.memory_space<vmem>>, vector<16xi32>,
      %get3A_326 = arith.index_cast %mul3A_320 : i32 to index
      %get3A_327 = tpu.vector_load %arg23[%get3A_326] {strides = array<i32>} : memref<128xi32, #tpu.memory_space<vmem>>, vector<16xi32>,
      %gather3A_328 = tpu.vector_load_idx %arg7[%get3A_325, %get3A_327] : memref<224x224xf32, #tpu.memory_space<vmem>>[vector<16xi32>, vector<16xi32>], vector<16xf32>,
      %sub3A_329 = arith.subf %gather3A, %gather3A_328 : vector<16xf32>
      %mul3A_330 = arith.mulf %sub3A_329, %sub3A_329 : vector<16xf32>
      %add3A_331 = arith.addf %scan3A_318, %mul3A_330 : vector<16xf32>
      %scan3A_332 = arith.constant 1 : i32
      %scan3A_333 = arith.addi %scan3A_317, %scan3A_332 : i32
      %mul3A_334 = arith.constant 16 : i32
      %mul3A_335 = arith.muli %scan3A_333, %mul3A_334 : i32
      %get3A_336 = arith.index_cast %mul3A_335 : i32 to index
      %get3A_337 = tpu.vector_load %arg20[%get3A_336] {strides = array<i32>} : memref<128xi32, #tpu.memory_space<vmem>>, vector<16xi32>,
      %get3A_338 = arith.index_cast %mul3A_335 : i32 to index
      %get3A_339 = tpu.vector_load %arg21[%get3A_338] {strides = array<i32>} : memref<128xi32, #tpu.memory_space<vmem>>, vector<16xi32>,
      %gather3A_340 = tpu.vector_load_idx %arg7[%get3A_337, %get3A_339] : memref<224x224xf32, #tpu.memory_space<vmem>>[vector<16xi32>, vector<16xi32>], vector<16xf32>,
      %get3A_341 = arith.index_cast %mul3A_335 : i32 to index
      %get3A_342 = tpu.vector_load %arg22[%get3A_341] {strides = array<i32>} : memref<128xi32, #tpu.memory_space<vmem>>, vector<16xi32>,
      %get3A_343 = arith.index_cast %mul3A_335 : i32 to index
      %get3A_344 = tpu.vector_load %arg23[%get3A_343] {strides = array<i32>} : memref<128xi32, #tpu.memory_space<vmem>>, vector<16xi32>,
      %gather3A_345 = tpu.vector_load_idx %arg7[%get3A_342, %get3A_344] : memref<224x224xf32, #tpu.memory_space<vmem>>[vector<16xi32>, vector<16xi32>], vector<16xf32>,
      %sub3A_346 = arith.subf %gather3A_340, %gather3A_345 : vector<16xf32>
      %mul3A_347 = arith.mulf %sub3A_346, %sub3A_346 : vector<16xf32>
      %add3A_348 = arith.addf %add3A_331, %mul3A_347 : vector<16xf32>
      scf.yield %add3A_348 : vector<16xf32>
    }
    %scan3A_310 = arith.constant 8 : i32
    %swap3A = arith.constant 0 : index
    %swap3A_311 = tpu.vector_load %arg24[%swap3A] {strides = array<i32>} : memref<16xf32, #tpu.memory_space<vmem>>, vector<16xf32>,
    tpu.vector_store %arg24[%swap3A], %scan3A_309 {strides = array<i32>} : memref<16xf32, #tpu.memory_space<vmem>>, vector<16xf32>,
    %mul3A_312 = arith.constant 16 : i32
    %mul3A_313 = arith.muli %arg1, %mul3A_312 : i32
    "tpu.region"() ({
      %run_scoped3A = tpu.sem_alloc : memref<!tpu.dma_semaphore, #tpu.memory_space<semaphore_mem>>
      %dma_start3A_317 = tpu.memref_slice %arg28[%mul3A_313] : memref<256xf32, #tpu.memory_space<vmem_shared>> -> memref<16xf32, #tpu.memory_space<vmem_shared>>
      %dma_start3A_318 = tpu.memref_slice %arg28[%mul3A_313] : memref<256xf32, #tpu.memory_space<vmem_shared>> -> memref<16xf32, #tpu.memory_space<vmem_shared>>
      tpu.enqueue_dma source(%arg24 : memref<16xf32, #tpu.memory_space<vmem>>) target(%dma_start3A_318 : memref<16xf32, #tpu.memory_space<vmem_shared>>) target_semaphore(%run_scoped3A : memref<!tpu.dma_semaphore, #tpu.memory_space<semaphore_mem>>)
      %dma_wait3A_319 = tpu.memref_slice %arg28[%mul3A_313] : memref<256xf32, #tpu.memory_space<vmem_shared>> -> memref<16xf32, #tpu.memory_space<vmem_shared>>
      %dma_wait3A_320 = tpu.memref_slice %arg28[%mul3A_313] : memref<256xf32, #tpu.memory_space<vmem_shared>> -> memref<16xf32, #tpu.memory_space<vmem_shared>>
      tpu.wait_dma2 semaphore(%run_scoped3A : memref<!tpu.dma_semaphore, #tpu.memory_space<semaphore_mem>>) src(%arg24 : memref<16xf32, #tpu.memory_space<vmem>>) dst(%dma_wait3A_320 : memref<16xf32, #tpu.memory_space<vmem_shared>>)
      tpu.yield
    }) : () -> ()
    %barrier3A = arith.constant 0 : index
    tpu.barrier barrier_id(%barrier3A)
    %eq3A_314 = arith.constant 0 : i32
    %eq3A_315 = arith.cmpi eq, %arg1, %eq3A_314 : i32
    %convert_element_type3A = arith.extui %eq3A_315 : i1 to i32
    %cond3A = arith.constant 0 : i32
    %cond3A_316 = arith.cmpi ne, %convert_element_type3A, %cond3A : i32
    scf.if %cond3A_316 {
      "tpu.region"() ({
        %run_scoped3A = tpu.sem_alloc : memref<!tpu.dma_semaphore, #tpu.memory_space<semaphore_mem>>
        tpu.enqueue_dma source(%arg28 : memref<256xf32, #tpu.memory_space<vmem_shared>>) target(%arg25 : memref<256xf32, #tpu.memory_space<vmem>>) target_semaphore(%run_scoped3A : memref<!tpu.dma_semaphore, #tpu.memory_space<semaphore_mem>>)
        tpu.wait_dma2 semaphore(%run_scoped3A : memref<!tpu.dma_semaphore, #tpu.memory_space<semaphore_mem>>) src(%arg28 : memref<256xf32, #tpu.memory_space<vmem_shared>>) dst(%arg25 : memref<256xf32, #tpu.memory_space<vmem>>)
        tpu.yield
      }) : () -> ()
      %broadcast_in_dim3A_317 = arith.constant 0.000000e+00 : f32
      %broadcast_in_dim3A_318 = vector.broadcast %broadcast_in_dim3A_317 : f32 to vector<16xf32>
      %scan3A_319 = arith.constant 0 : i32
      %scan3A_320 = arith.constant 16 : i32
      %scan3A_321 = arith.addi %scan3A_319, %scan3A_320 : i32
      %scan3A_322 = arith.constant 1 : i32
      %scan3A_323 = scf.for %scan3A_333 = %scan3A_319 to %scan3A_321 step %scan3A_322 iter_args(%scan3A_334 = %broadcast_in_dim3A_318) -> (vector<16xf32>)  : i32 {
        %mul3A_335 = arith.constant 16 : i32
        %mul3A_336 = arith.muli %scan3A_333, %mul3A_335 : i32
        %get3A = arith.index_cast %mul3A_336 : i32 to index
        %get3A_337 = tpu.vector_load %arg25[%get3A] {strides = array<i32>} : memref<256xf32, #tpu.memory_space<vmem>>, vector<16xf32>,
        %add3A_338 = arith.addf %scan3A_334, %get3A_337 : vector<16xf32>
        scf.yield %add3A_338 : vector<16xf32>
      }
      %scan3A_324 = arith.constant 16 : i32
      %reduce_sum3A = arith.constant true
      %reduce_sum3A_325 = vector.broadcast %reduce_sum3A : i1 to vector<16xi1>
      %reduce_sum3A_326 = tpu.scan <sum>, %scan3A_323 masked %reduce_sum3A_325 : vector<16xf32>, vector<16xi1> -> vector<16xf32>
      %reduce_sum3A_327 = vector.extract %reduce_sum3A_326[15] : f32 from vector<16xf32>
      %mul3A_328 = arith.constant 1.250000e-01 : f32
      %mul3A_329 = arith.mulf %reduce_sum3A_327, %mul3A_328 : f32
      %broadcast_in_dim3A_330 = vector.broadcast %mul3A_329 : f32 to vector<16xf32>
      %swap3A_331 = arith.constant 0 : index
      %swap3A_332 = tpu.vector_load %arg26[%swap3A_331] {strides = array<i32>} : memref<16xf32, #tpu.memory_space<vmem>>, vector<16xf32>,
      tpu.vector_store %arg26[%swap3A_331], %broadcast_in_dim3A_330 {strides = array<i32>} : memref<16xf32, #tpu.memory_space<vmem>>, vector<16xf32>,
      "tpu.region"() ({
        %run_scoped3A = tpu.sem_alloc : memref<!tpu.dma_semaphore, #tpu.memory_space<semaphore_mem>>
        %dma_start3A_333 = arith.constant 0 : i32
        %dma_start3A_334 = tpu.memref_slice %arg5[%arg0, %dma_start3A_333] : memref<2x16xf32, #tpu.memory_space<hbm>> -> memref<1x16xf32, #tpu.memory_space<hbm>>
        %dma_start3A_335 = tpu.memref_squeeze %dma_start3A_334 : memref<1x16xf32, #tpu.memory_space<hbm>> -> memref<16xf32, #tpu.memory_space<hbm>>
        %dma_start3A_336 = arith.constant 0 : i32
        %dma_start3A_337 = tpu.memref_slice %arg5[%arg0, %dma_start3A_336] : memref<2x16xf32, #tpu.memory_space<hbm>> -> memref<1x16xf32, #tpu.memory_space<hbm>>
        %dma_start3A_338 = tpu.memref_squeeze %dma_start3A_337 : memref<1x16xf32, #tpu.memory_space<hbm>> -> memref<16xf32, #tpu.memory_space<hbm>>
        tpu.enqueue_dma source(%arg26 : memref<16xf32, #tpu.memory_space<vmem>>) target(%dma_start3A_338 : memref<16xf32, #tpu.memory_space<hbm>>) target_semaphore(%run_scoped3A : memref<!tpu.dma_semaphore, #tpu.memory_space<semaphore_mem>>)
        %dma_wait3A_339 = arith.constant 0 : i32
        %dma_wait3A_340 = tpu.memref_slice %arg5[%arg0, %dma_wait3A_339] : memref<2x16xf32, #tpu.memory_space<hbm>> -> memref<1x16xf32, #tpu.memory_space<hbm>>
        %dma_wait3A_341 = tpu.memref_squeeze %dma_wait3A_340 : memref<1x16xf32, #tpu.memory_space<hbm>> -> memref<16xf32, #tpu.memory_space<hbm>>
        %dma_wait3A_342 = arith.constant 0 : i32
        %dma_wait3A_343 = tpu.memref_slice %arg5[%arg0, %dma_wait3A_342] : memref<2x16xf32, #tpu.memory_space<hbm>> -> memref<1x16xf32, #tpu.memory_space<hbm>>
        %dma_wait3A_344 = tpu.memref_squeeze %dma_wait3A_343 : memref<1x16xf32, #tpu.memory_space<hbm>> -> memref<16xf32, #tpu.memory_space<hbm>>
        tpu.wait_dma2 semaphore(%run_scoped3A : memref<!tpu.dma_semaphore, #tpu.memory_space<semaphore_mem>>) src(%arg26 : memref<16xf32, #tpu.memory_space<vmem>>) dst(%dma_wait3A_344 : memref<16xf32, #tpu.memory_space<hbm>>)
        tpu.yield
      }) : () -> ()
    } else {
    }
    return
  }
}

</mosaic_0001>

<sc_bundles>
// kernel: kernel.3.cloned.1.call-start
scs
__scs_entry_jumppad:
0x0: {  	(pc) =	sbr.rel $0x88, $3  }
0x1: {  	(tag) =	ssettag $0x0;
	lr =	simm.s32 $0x1  }
0x2: {  	[smem:$0x3F97] =	sst lr;
	_ =	strace $0xD0000000  }
0x3: {  	_ = 	snop  }
0x4: {  	_ = 	snop  }
0x5: {  	_ = 	snop  }
0x6: {  	_ = 	snop  }
0x7: {  	_ = 	snop  }
__scs_overlays_trampoline_lowered:
0x8: {  	[smem:$0x3FA6] =	sst s0  }
0x9: {  	[smem:$0x3FA7] =	sst s1  }
0xa: {  	[smem:$0x3FA8] =	sst s2  }
0xb: {  	[smem:$0x3FA9] =	sst s3  }
0xc: {  	[smem:$0x3FAA] =	sst s4  }
0xd: {  	[smem:$0x3FAB] =	sst s5  }
0xe: {  	[smem:$0x3FAC] =	sst s6  }
0xf: {  	[smem:$0x3FAD] =	sst s7  }
0x10: {  	[smem:$0x3FAE] =	sst s8  }
0x11: {  	[smem:$0x3FAF] =	sst s9;
	s0 =	simm.s32 @!p0 $0x0  }
0x12: {  	s1 =	sld [smem:$0x3F95];
	s0 =	simm.s32 @p0 $0x1  }
0x13: {  	[smem:$0x3FB0] =	sst s0;
	s0 =	simm.s32 @!p1 $0x0  }
0x14: {  	s2 =	sld [smem:$0x3F94];
	s0 =	simm.s32 @p1 $0x1  }
0x15: {  	[smem:$0x3FB1] =	sst s0;
	s0 =	simm.s32 @!p2 $0x0  }
0x16: {  	s3 =	sld [smem:$0x3FDB];
	s0 =	simm.s32 @p2 $0x1  }
0x17: {  	s4 =	simm.s32 $0x1BF5;
	[smem:$0x3FB3] =	sst s0  }
0x18: {  	s0 =	sld [smem:$0x3F96];
	_ =	swait.ge [sflag:s4], $0x0  }
0x19: {  	s7 =	sld [smem:$0x3F97]  }
0x1a: {  	s8 =	sadd.s32 $0xFFFFE003, lr  }
0x1b: {  	s9 =	sadd.s32 $0xFFFFFEF7, lr;
	s5 =	simm.s32 $0xFFFFFFFF;
	p2 =	slt.u32 s8, $0xFFFFF086  }
0x1c: {  	p1 =	slt.u32 s9, $0xF7A;
	s5 =	simm.s32 @!p2 $0x0  }
0x1d: {  	s5 =	simm.s32 @p1 $0x1;
	p0 =	seq.s32 s7, s2  }
0x1e: {  	s7 =	smul.u32 @!p0 $0xF7A, s2;
	p2 =	seq.s32 @!p0 s5, $0x0  }
0x1f: {  	s9 =	smul.u32 $0xF7A, s1;
	s8 =	simm.s32 @!p0 $0x1BF5;
	p2 =	por !p2, p0  }
0x20: {  	[sflag:s8] =	ssyncset.s32 @!p0 $0xFFFFF086;
	s6 =	sadd.s32 @!p0 s3, s7;
	s7 =	simm.s32 @!p0 $0x108  }
0x21: {  	s3 =	sadd.s32 s3, s9;
	s6 =	sadd.s32 @!p0 $0x88, s6;
	s7 =	simm.s32 @p2 $0x1082  }
0x22: {  	[simem:s7], [sflag:s8] =	dma.local @!p0 [hbm:s6], $0xF7A  }
0x23: {  	s9 =	sor.u32 $0xD0000000, s2;
	s6 =	simm.s32 $0x108;
	_ =	swait.ge @!p0 [sflag:s8], $0x0  }
0x24: {  	s3 =	sadd.s32 $0x88, s3;
	s6 =	simm.s32 @!p1 $0x1082;
	[sflag:s4] =	ssyncset.s32 $0xFFFFF086  }
0x25: {  	[simem:s6], [sflag:s4] =	dma.local [hbm:s3], $0xF7A  }
0x26: {  	[smem:$0x3F97] =	sst s1;
	(tag) =	ssettag s2;
	_ =	strace s9  }
0x27: {  	s1 =	sld [smem:$0x3FA7]  }
0x28: {  	s2 =	sld [smem:$0x3FA8]  }
0x29: {  	s4 =	sld [smem:$0x3FAA]  }
0x2a: {  	p0 =	seq.s32 s5, $0x0;
	s5 =	sld [smem:$0x3FAB]  }
0x2b: {  	s6 =	sld [smem:$0x3FAC]  }
0x2c: {  	s7 =	sld [smem:$0x3FAD]  }
0x2d: {  	s3 =	simm.s32 $0x108;
	s8 =	sld [smem:$0x3FAE]  }
0x2e: {  	s3 =	simm.s32 @!p0 $0x1082;
	s9 =	sld [smem:$0x3FAF]  }
0x2f: {  	lr =	sadd.s32 s0, s3;
	s0 =	sld [smem:$0x3FA6]  }
0x30: {  	s3 =	sld [smem:$0x3FA9]  }
0x31: {  	[smem:$0x3FB2] =	sst s10  }
0x32: {  	s10 =	sld [smem:$0x3FB0];
	_ =	sdelay $0x3  }
0x33: {  	p0 =	seq.s32 s10, $0x1;
	s10 =	sld [smem:$0x3FB2];
	_ =	sdelay $0x3  }
0x34: {  	[smem:$0x3FB2] =	sst s10  }
0x35: {  	s10 =	sld [smem:$0x3FB1];
	_ =	sdelay $0x3  }
0x36: {  	p1 =	seq.s32 s10, $0x1;
	s10 =	sld [smem:$0x3FB2];
	_ =	sdelay $0x3  }
0x37: {  	[smem:$0x3FB2] =	sst s10  }
0x38: {  	s10 =	sld [smem:$0x3FB3]  }
0x39: {  	_ = 	snop;
	(pc) =	sbr.ind lr, $3  }
0x3a: {  	_ = 	snop  }
0x3b: {  	_ = 	snop  }
0x3c: {  	p2 =	seq.s32 s10, $0x1;
	s10 =	sld [smem:$0x3FB2]  }
0x3d: {  	_ =	shalt  }
0x3e: {  	_ =	shalt  }
0x3f: {  	_ =	shalt  }
0x40: {  	_ =	shalt  }
0x41: {  	_ =	shalt  }
0x42: {  	_ =	shalt  }
0x43: {  	_ =	shalt  }
0x44: {  	_ =	shalt  }
0x45: {  	_ =	shalt  }
0x46: {  	_ =	shalt  }
0x47: {  	_ =	shalt  }
0x48: {  	_ =	shalt  }
0x49: {  	_ =	shalt  }
0x4a: {  	_ =	shalt  }
0x4b: {  	_ =	shalt  }
0x4c: {  	_ =	shalt  }
0x4d: {  	_ =	shalt  }
0x4e: {  	_ =	shalt  }
0x4f: {  	_ =	shalt  }
0x50: {  	_ =	shalt  }
0x51: {  	_ =	shalt  }
0x52: {  	_ =	shalt  }
0x53: {  	_ =	shalt  }
0x54: {  	_ =	shalt  }
0x55: {  	_ =	shalt  }
0x56: {  	_ =	shalt  }
0x57: {  	_ =	shalt  }
0x58: {  	_ =	shalt  }
0x59: {  	_ =	shalt  }
0x5a: {  	_ =	shalt  }
0x5b: {  	_ =	shalt  }
0x5c: {  	_ =	shalt  }
0x5d: {  	_ =	shalt  }
0x5e: {  	_ =	shalt  }
0x5f: {  	_ =	shalt  }
0x60: {  	_ =	shalt  }
0x61: {  	_ =	shalt  }
0x62: {  	_ =	shalt  }
0x63: {  	_ =	shalt  }
0x64: {  	_ =	shalt  }
0x65: {  	_ =	shalt  }
0x66: {  	_ =	shalt  }
0x67: {  	_ =	shalt  }
0x68: {  	_ =	shalt  }
0x69: {  	_ =	shalt  }
0x6a: {  	_ =	shalt  }
0x6b: {  	_ =	shalt  }
0x6c: {  	_ =	shalt  }
0x6d: {  	_ =	shalt  }
0x6e: {  	_ =	shalt  }
0x6f: {  	_ =	shalt  }
0x70: {  	_ =	shalt  }
0x71: {  	_ =	shalt  }
0x72: {  	_ =	shalt  }
0x73: {  	_ =	shalt  }
0x74: {  	_ =	shalt  }
0x75: {  	_ =	shalt  }
0x76: {  	_ =	shalt  }
0x77: {  	_ =	shalt  }
0x78: {  	_ =	shalt  }
0x79: {  	_ =	shalt  }
0x7a: {  	_ =	shalt  }
0x7b: {  	_ =	shalt  }
0x7c: {  	_ =	shalt  }
0x7d: {  	_ =	shalt  }
0x7e: {  	_ =	shalt  }
0x7f: {  	_ =	shalt  }
0x80: {  	_ =	shalt  }
0x81: {  	_ =	shalt  }
0x82: {  	_ =	shalt  }
0x83: {  	_ =	shalt  }
0x84: {  	_ =	shalt  }
0x85: {  	_ =	shalt  }
0x86: {  	_ =	shalt  }
0x87: {  	_ =	shalt  }
.Lfunc_end0:
.L_simem_size_0:
called_computation_lowered:
.L_overlay_start_0:
0x88: {  	s2 =	sld [smem:$0x3FD9]  }
0x89: {  	s3 =	sld [smem:$0x3FFE];
	_ =	sdelay $0x1  }
0x8a: {  	s1 =	srdreg.scid  }
0x8b: {  	s0 =	sand.u32 $0x1, s1  }
0x8c: {  	s17 =	sshll.u32 s0, $0xA;
	s2 =	sadd.s32 s3, s2  }
0x8d: {  	s2 =	sadd.s32 s2, s17  }
0x8e: {  	[smem:$0x3FBE] =	sst s2  }
0x8f: {  	_ = 	snop  }
0x90: {  	s2 =	sld [smem:$0x3FC9]  }
0x91: {  	s18 =	sld [smem:$0x3FC8];
	(tm) =	ssettm $0x1  }
0x92: {  	s4 =	sld [smem:$0x3FFB];
	_ =	sdelay $0x3  }
0x93: {  	_ =	strace s4  }
0x94: {  	s4 =	sld [smem:$0x3FFC];
	_ =	sdelay $0x3  }
0x95: {  	_ =	strace s4  }
0x96: {  	s4 =	sld [smem:$0x3FFD];
	_ =	sdelay $0x3  }
0x97: {  	_ =	strace s4  }
0x98: {  	_ =	strace $0x8FFFFFFF  }
0x99: {  	s19 =	sld [smem:$0x3FDB];
	_ =	sdelay $0x1  }
0x9a: {  	s5 =	simm.s32 $_scs_section_size  }
0x9b: {  	s6 =	simm.s32 $_size__tile_overlayer_lowered;
	s7 =	simm.s32 $_tile_overlayer_lowered  }
0x9c: {  	s22 =	simm.s32 $0x1BFF;
	s21 =	sshll.u32 s7, $0x1;
	s4 =	sadd.s32 s5, s19  }
0x9d: {  	s8 =	simm.s32 $0x0;
	s20 =	sshll.u32 s6, $0x1;
	s6 =	sadd.s32 s21, s4  }
0x9e: {  	[timem:s8], [sflag:s22] =	dma.local [hbm:s6], s20  }
0x9f: {  	_ =	swait.ge [sflag:s22], s20  }
0xa0: {  	s5 =	ssub.s32 $0x0, s20;
	[sflag:s22] =	ssyncset.done $0x0  }
0xa1: {  	[sflag:s22] =	ssyncadd.s32 s5;
	_ =	sdelay $0x1  }
0xa2: {  	s23 =	simm.s32 $0x1B8B  }
0xa3: {  	_ =	swait.ge [sflag:s23], $0x1  }
0xa4: {  	[sflag:s23] =	ssyncset.done $0x0  }
0xa5: {  	s25 =	simm.s32 $0x1B8E;
	s24 =	sld [smem:$0x3FFE];
	[sflag:s23] =	ssyncadd.s32 $0xFFFFFFFF  }
0xa6: {  	s26 =	simm.s32 $execute0_lowered;
	[smem:$0x3FD2] =	sst s25  }
0xa7: {  	s6 =	sshll.u32 s26, $0x1;
	_ =	strace $0x80000046;
	[dreg:$0x1] =	wrdreg $0xFFFFFFFF  }
0xa8: {  	s28 =	simm.s32 $_size_execute0_lowered;
	s4 =	sadd.s32 s4, s6;
	[dreg:$0x0] =	wrdreg $0x0  }
0xa9: {  	s6 =	sshll.u32 s28, $0x1;
	[dreg:$0x2] =	wrdreg s4  }
0xaa: {  	[dreg:$0x3] =	wrdreg s6  }
0xab: {  	[dreg:$0x4] =	wrdreg $0xC0  }
0xac: {  	_ =	task [dreg:s8], $0x5FFFF  }
0xad: {  	[dreg:$0x1] =	wrdreg $0xFFFFFFFF  }
0xae: {  	[dreg:$0x0] =	wrdreg $0x60  }
0xaf: {  	[dreg:$0x2] =	wrdreg s2  }
0xb0: {  	[dreg:$0x3] =	wrdreg s18  }
0xb1: {  	[dreg:$0x4] =	wrdreg s24  }
0xb2: {  	[dreg:$0x5] =	wrdreg $0x1E8000  }
0xb3: {  	[dreg:$0x6] =	wrdreg $0x9  }
0xb4: {  	_ =	task.clear_ibuf [dreg:s8], $0x7FFFF;
	_ =	strace $0x90000046  }
0xb5: {  	s29 =	simm.s32 $0x9;
	_ =	strace $0x80000048  }
0xb6: {  	_ =	swait.ge [sflag:s29], $0x1  }
0xb7: {  	[sflag:s29] =	ssyncadd.s32 $0xFFFFFFFF  }
0xb8: {  	_ =	strace $0x90000048  }
0xb9: {  	_ =	sfence  }
0xba: {  	s30 =	sld [smem:$0x0];
	_ =	sdelay $0x2  }
0xbb: {  	s31 =	sshll.u32 s1, $0xD;
	s1 =	sshrl.u32 s1, $0x2  }
0xbc: {  	s3 =	sand.u32 $0x4000, s31;
	s1 =	sadd.s32 s1, s30  }
0xbd: {  	s0 =	sor.u32 s3, s0;
	s1 =	sshll.u32 s1, $0x11  }
0xbe: {  	s0 =	sor.u32 s1, s0  }
0xbf: {  	s0 =	sadd.s32 $0x8F2B, s0  }
0xc0: {  	[sflag:s0] =	ssyncadd.remote.s32 $0x1  }
0xc1: {  	_ =	sfence.sel $0xFFFF  }
0xc2: {  	[dreg:$0x0] =	wrdreg $0xFFFFFFFF;
	(pc) =	sbr.abs _section_cstart, $3  }
0xc3: {  	[dreg:$0x1] =	wrdreg $0xFFFFFFFF  }
0xc4: {  	_ =	task.clear_ibuf [dreg:s8], $0x2FFFF;
	_ =	strace $0x9FFFFFFF  }
0xc5: {  	(tm) =	ssettm $0x7FFFFFFF  }
tec
execute0_lowered:
.L_overlay_start_1:
0x0: {  	(tag) =	ssettag $0x1  }
0x1: {  	s0 =	rddreg [dreg:$0x0]  }
0x2: {  	s1 =	rddreg [dreg:$0x1]  }
0x3: {  	s3 =	rddreg [dreg:$0x2]  }
0x4: {  	s21 =	rddreg [dreg:$0x3]  }
0x5: {  	s2 =	srdreg.scid;
	s5 =	stileid.u32;
	s29 =	simm.s32 $0xE000  }
0x6: {  	s30 =	simm.s32 $0x1;
	s4 =	sand.u32 $0x1, s2;
	s2 =	simm.s32 $0x0  }
0x7: {  	s7 =	sshrl.u32 s5, $0x2;
	s16 =	sand.u32 $0x3, s5;
	s17 =	sadd.s32 $0x1200, s3  }
0x8: {  	s31 =	sshll.u32 s5, $0x4;
	p0 =	sne.s32 s5, $0x0;
	s6 =	sshll.u32 s4, $0x2  }
0x9: {  	[smem:$0x7FF] =	sst s2;
	s9 =	ssub.s32 $0x2, s4;
	s10 =	sshll.u32 s16, $0xB  }
0xa: {  	s4 =	sshll.u32 s4, $0x4;
	s26 =	sshll.u32 s16, $0x9;
	s21 =	sadd.s32 s31, s21  }
0xb: {  	s6 =	sor.u32 s7, s6;
	_ =	strace $0x80000047;
	s11 =	sshrl.u32 s9, $0x1  }
0xc: {  	s4 =	sadd.s32 s4, s3;
	s3 =	sadd.s32 $0x1210, s3;
	s8 =	smul.u32 $0x9800, s6  }
0xd: {  	s7 =	sshll.u32 s16, $0x8;
	s23 =	ssub.s32 s9, s11;
	s6 =	smul.u32 $0x1C00, s6  }
0xe: {  	s23 =	smax.u32 s23, $0x1;
	s10 =	sadd.s32 s10, s8;
	s7 =	sor.u32 s7, s8  }
0xf: {  	s18 =	sshrl.u32 s10, $0x3;
	s20 =	sadd.s32 $0x2000, s10;
	s24 =	sadd.s32 $0x4000, s10  }
0x10: {  	s10 =	sadd.s32 $0x6000, s10;
	s19 =	sadd.s32 s17, s18;
	s9 =	sadd.s32 s18, s3  }
0x11: {  	s22 =	sshrl.u32 s20, $0x3;
	s25 =	sshrl.u32 s24, $0x3;
	s10 =	sshrl.u32 s10, $0x3  }
0x12: {  	s20 =	sadd.s32 s1, s6;
	s24 =	simm.s32 $0x80;
	[dreg:$0x5] =	wrdreg s19  }
0x13: {  	s1 =	simm.s32 $0x0;
	[dreg:$0x6] =	wrdreg s9;
	s12 =	sadd.s32 s17, s22  }
0x14: {  	s9 =	sadd.s32 s22, s3;
	s11 =	sadd.s32 s17, s25;
	[dreg:$0x7] =	wrdreg s12  }
0x15: {  	s19 =	sadd.s32 s0, s6;
	s22 =	sadd.s32 $0xAA00, s4;
	[dreg:$0x8] =	wrdreg s9  }
0x16: {  	s0 =	simm.s32 $0x2;
	[dreg:$0x9] =	wrdreg s11;
	s9 =	sadd.s32 s25, s3  }
0x17: {  	s11 =	sor.u32 s26, s8;
	s8 =	sadd.s32 $0x9000, s7;
	s7 =	sadd.s32 $0x9400, s7  }
0x18: {  	s25 =	simm.s32 $0x100;
	[dreg:$0xa] =	wrdreg s9;
	s9 =	sadd.s32 s17, s10  }
0x19: {  	s10 =	sadd.s32 s10, s3;
	s28 =	sadd.s32 $0x8000, s11;
	s13 =	sadd.s32 $0x8800, s11  }
0x1a: {  	s8 =	sshrl.u32 s8, $0x3;
	s7 =	sshrl.u32 s7, $0x3;
	s12 =	sshrl.u32 s28, $0x3  }
0x1b: {  	s14 =	sshrl.u32 s13, $0x3;
	s15 =	sadd.s32 s17, s8;
	s16 =	sadd.s32 s8, s3  }
0x1c: {  	s18 =	sadd.s32 s7, s3;
	s11 =	sadd.s32 s17, s12;
	s12 =	sadd.s32 s12, s3  }
0x1d: {  	s13 =	sadd.s32 s17, s14;
	s14 =	sadd.s32 s14, s3;
	s17 =	sadd.s32 s17, s7  }
.LBB2_1:
0x1e: {  	s3 =	rddreg [dreg:$0x5];
	s4 =	simm.s32 $0x1C000  }
0x1f: {  	[tilespmem:s4], [sflag:$0x1] =	stream.strided.gather [hbm4b:s3+s24], $0x400, s25, s24, $0x38;
	[tilespmem:$0x1E810] =	vst v63  }
0x20: {  	s6 =	rddreg [dreg:$0x6];
	s7 =	simm.s32 $0x1C400  }
0x21: {  	[tilespmem:s7], [sflag:$0x1] =	stream.strided.gather [hbm4b:s6+s24], $0x400, s25, s24, $0x38;
	[tilespmem:$0x1E810] =	vst v63  }
0x22: {  	s8 =	rddreg [dreg:$0x7];
	s26 =	simm.s32 $0x1C800  }
0x23: {  	[tilespmem:s26], [sflag:$0x1] =	stream.strided.gather [hbm4b:s8+s24], $0x400, s25, s24, $0x38;
	[tilespmem:$0x1E810] =	vst v63  }
0x24: {  	s28 =	rddreg [dreg:$0x8];
	s31 =	simm.s32 $0x1CC00  }
0x25: {  	[tilespmem:s31], [sflag:$0x1] =	stream.strided.gather [hbm4b:s28+s24], $0x400, s25, s24, $0x38;
	[tilespmem:$0x1E810] =	vst v63  }
0x26: {  	s5 =	simm.s32 $0x1D000;
	s4 =	rddreg [dreg:$0x9]  }
0x27: {  	[tilespmem:s5], [sflag:$0x1] =	stream.strided.gather [hbm4b:s4+s24], $0x400, s25, s24, $0x38;
	[tilespmem:$0x1E810] =	vst v63  }
0x28: {  	s6 =	rddreg [dreg:$0xa];
	s7 =	simm.s32 $0x1D400  }
0x29: {  	[tilespmem:s7], [sflag:$0x1] =	stream.strided.gather [hbm4b:s6+s24], $0x400, s25, s24, $0x38;
	[tilespmem:$0x1E810] =	vst v63  }
0x2a: {  	s8 =	simm.s32 $0x1D800  }
0x2b: {  	[tilespmem:s8], [sflag:$0x1] =	stream.strided.gather [hbm4b:s9+s24], $0x400, s25, s24, $0x38;
	[tilespmem:$0x1E810] =	vst v63  }
0x2c: {  	s26 =	simm.s32 $0x1DC00  }
0x2d: {  	[tilespmem:s26], [sflag:$0x1] =	stream.strided.gather [hbm4b:s10+s24], $0x400, s25, s24, $0x38;
	[tilespmem:$0x1E810] =	vst v63  }
0x2e: {  	s28 =	simm.s32 $0x1E000  }
0x2f: {  	[tilespmem:s28], [sflag:$0x1] =	stream.strided.gather [hbm4b:s11+s24], $0x100, s25, s24, $0x38;
	[tilespmem:$0x1E810] =	vst v63  }
0x30: {  	s31 =	simm.s32 $0x1E100  }
0x31: {  	[tilespmem:s31], [sflag:$0x1] =	stream.strided.gather [hbm4b:s12+s24], $0x100, s25, s24, $0x38;
	[tilespmem:$0x1E810] =	vst v63  }
0x32: {  	s4 =	simm.s32 $0x1E200  }
0x33: {  	[tilespmem:s4], [sflag:$0x1] =	stream.strided.gather [hbm4b:s13+s24], $0x100, s25, s24, $0x38;
	[tilespmem:$0x1E810] =	vst v63  }
0x34: {  	s5 =	simm.s32 $0x1E300  }
0x35: {  	[tilespmem:s5], [sflag:$0x1] =	stream.strided.gather [hbm4b:s14+s24], $0x100, s25, s24, $0x38;
	[tilespmem:$0x1E810] =	vst v63  }
0x36: {  	s6 =	simm.s32 $0x1E400  }
0x37: {  	[tilespmem:s6], [sflag:$0x1] =	stream.linear.gather [hbm4b:s15+s2], $0x80, $0x38;
	[tilespmem:$0x1E810] =	vst v63  }
0x38: {  	s7 =	simm.s32 $0x1E480  }
0x39: {  	[tilespmem:s7], [sflag:$0x1] =	stream.linear.gather [hbm4b:s16+s2], $0x80, $0x38;
	[tilespmem:$0x1E810] =	vst v63  }
0x3a: {  	s8 =	simm.s32 $0x1E500  }
0x3b: {  	[tilespmem:s8], [sflag:$0x1] =	stream.linear.gather [hbm4b:s17+s2], $0x80, $0x38;
	[tilespmem:$0x1E810] =	vst v63  }
0x3c: {  	s26 =	simm.s32 $0x1E580  }
0x3d: {  	[tilespmem:s26], [sflag:$0x1] =	stream.linear.gather [hbm4b:s18+s2], $0x80, $0x38;
	[tilespmem:$0x1E810] =	vst v63  }
0x3e: {  	_ = 	snop  }
0x3f: {  	[tilespmem:s2], [sflag:$0x1] =	stream.linear.gather [hbm4b:s19+s2], $0xE000, $0x38;
	[tilespmem:$0x1E810] =	vst v63  }
0x40: {  	_ = 	snop  }
0x41: {  	[tilespmem:s29], [sflag:$0x1] =	stream.linear.gather [hbm4b:s20+s2], $0xE000, $0x38;
	[tilespmem:$0x1E810] =	vst v63  }
0x42: {  	_ =	swait.ge [sflag:s30], $0x400  }
0x43: {  	[sflag:s30] =	ssyncset.done $0x0  }
0x44: {  	[sflag:s30] =	ssyncadd.s32 $0xFFFFFC00  }
0x45: {  	_ =	swait.ge [sflag:s30], $0x400  }
0x46: {  	[sflag:s30] =	ssyncset.done $0x0  }
0x47: {  	[sflag:s30] =	ssyncadd.s32 $0xFFFFFC00  }
0x48: {  	_ =	swait.ge [sflag:s30], $0x400  }
0x49: {  	[sflag:s30] =	ssyncset.done $0x0  }
0x4a: {  	[sflag:s30] =	ssyncadd.s32 $0xFFFFFC00  }
0x4b: {  	_ =	swait.ge [sflag:s30], $0x400  }
0x4c: {  	[sflag:s30] =	ssyncset.done $0x0  }
0x4d: {  	[sflag:s30] =	ssyncadd.s32 $0xFFFFFC00  }
0x4e: {  	_ =	swait.ge [sflag:s30], $0x400  }
0x4f: {  	[sflag:s30] =	ssyncset.done $0x0  }
0x50: {  	[sflag:s30] =	ssyncadd.s32 $0xFFFFFC00  }
0x51: {  	_ =	swait.ge [sflag:s30], $0x400  }
0x52: {  	[sflag:s30] =	ssyncset.done $0x0  }
0x53: {  	[sflag:s30] =	ssyncadd.s32 $0xFFFFFC00  }
0x54: {  	_ =	swait.ge [sflag:s30], $0x400  }
0x55: {  	[sflag:s30] =	ssyncset.done $0x0  }
0x56: {  	[sflag:s30] =	ssyncadd.s32 $0xFFFFFC00  }
0x57: {  	_ =	swait.ge [sflag:s30], $0x400  }
0x58: {  	[sflag:s30] =	ssyncset.done $0x0  }
0x59: {  	[sflag:s30] =	ssyncadd.s32 $0xFFFFFC00  }
0x5a: {  	_ =	swait.ge [sflag:s30], $0x100  }
0x5b: {  	[sflag:s30] =	ssyncset.done $0x0  }
0x5c: {  	[sflag:s30] =	ssyncadd.s32 $0xFFFFFF00  }
0x5d: {  	_ =	swait.ge [sflag:s30], $0x100  }
0x5e: {  	[sflag:s30] =	ssyncset.done $0x0  }
0x5f: {  	[sflag:s30] =	ssyncadd.s32 $0xFFFFFF00  }
0x60: {  	_ =	swait.ge [sflag:s30], $0x100  }
0x61: {  	[sflag:s30] =	ssyncset.done $0x0  }
0x62: {  	[sflag:s30] =	ssyncadd.s32 $0xFFFFFF00  }
0x63: {  	_ =	swait.ge [sflag:s30], $0x100  }
0x64: {  	[sflag:s30] =	ssyncset.done $0x0  }
0x65: {  	[sflag:s30] =	ssyncadd.s32 $0xFFFFFF00  }
0x66: {  	_ =	swait.ge [sflag:s30], $0x80  }
0x67: {  	[sflag:s30] =	ssyncset.done $0x0  }
0x68: {  	[sflag:s30] =	ssyncadd.s32 $0xFFFFFF80  }
0x69: {  	_ =	swait.ge [sflag:s30], $0x80  }
0x6a: {  	[sflag:s30] =	ssyncset.done $0x0  }
0x6b: {  	[sflag:s30] =	ssyncadd.s32 $0xFFFFFF80  }
0x6c: {  	_ =	swait.ge [sflag:s30], $0x80  }
0x6d: {  	[sflag:s30] =	ssyncset.done $0x0  }
0x6e: {  	[sflag:s30] =	ssyncadd.s32 $0xFFFFFF80  }
0x6f: {  	_ =	swait.ge [sflag:s30], $0x80  }
0x70: {  	[sflag:s30] =	ssyncset.done $0x0  }
0x71: {  	[sflag:s30] =	ssyncadd.s32 $0xFFFFFF80  }
0x72: {  	_ =	swait.ge [sflag:s30], $0xE000  }
0x73: {  	[sflag:s30] =	ssyncset.done $0x0  }
0x74: {  	s28 =	simm.s32 $0x1E110;
	[sflag:s30] =	ssyncadd.s32 $0xFFFF2000  }
0x75: {  	v0 =	vld [tilespmem:s28+$0x0]  }
0x76: {  	s31 =	simm.s32 $0x1E310;
	v1 =	vld [tilespmem:s28+$0xFFFFFFF0]  }
0x77: {  	s6 =	simm.s32 $0x1E010;
	v2 =	vld [tilespmem:s31+$0xFFFFFFF0]  }
0x78: {  	s5 =	simm.s32 $0x1E210;
	v3 =	vld [tilespmem:s6+$0x0]  }
0x79: {  	v4 =	vld [tilespmem:s5+$0x0]  }
0x7a: {  	v5 =	vld [tilespmem:s31+$0x0]  }
0x7b: {  	v6 =	vld [tilespmem:s6+$0xFFFFFFF0]  }
0x7c: {  	v7 =	vld [tilespmem:s5+$0xFFFFFFF0];
	_ =	sdelay $0x1  }
0x7d: {  	v8 =	vand.u32 $0x7F, v0;
	v9 =	vand.u32 $0x7F, v1;
	v10 =	vand.u32 $0x7F, v2  }
0x7e: {  	v11 =	vshll.u32 v3, $0x7;
	v12 =	vshll.u32 v4, $0x7;
	v3 =	vshll.u32 v3, $0x8  }
0x7f: {  	v0 =	vshll.u32 v0, $0x3;
	v4 =	vshll.u32 v4, $0x8;
	v13 =	vshll.u32 v5, $0x3  }
0x80: {  	v14 =	vshll.u32 v6, $0x8;
	v6 =	vshll.u32 v6, $0x7;
	v15 =	vshll.u32 v7, $0x7  }
0x81: {  	v1 =	vshll.u32 v1, $0x3;
	v7 =	vshll.u32 v7, $0x8;
	v2 =	vshll.u32 v2, $0x3  }
0x82: {  	v11 =	vand.u32 $0x380, v11;
	v12 =	vand.u32 $0x380, v12;
	v3 =	vand.u32 $0xFFFFF800, v3  }
0x83: {  	s7 =	simm.s32 $0x1E130;
	v0 =	vand.u32 $0xFFFFFC00, v0;
	v14 =	vand.u32 $0xFFFFF800, v14;
	v1 =	vand.u32 $0xFFFFFC00, v1  }
0x84: {  	v16 =	vld [tilespmem:s7+$0x0];
	v4 =	vand.u32 $0xFFFFF800, v4;
	v6 =	vand.u32 $0x380, v6;
	v1 =	vadd.s32 v14, v1  }
0x85: {  	s8 =	simm.s32 $0x1E330;
	v17 =	vld [tilespmem:s7+$0xFFFFFFF0];
	v7 =	vand.u32 $0xFFFFF800, v7;
	v2 =	vand.u32 $0xFFFFFC00, v2;
	v1 =	vor.u32 v6, v1  }
0x86: {  	s26 =	simm.s32 $0x1E030;
	v14 =	vand.u32 $0x380, v15;
	v15 =	vld [tilespmem:s8+$0xFFFFFFF0];
	v2 =	vadd.s32 v7, v2;
	v1 =	vor.u32 v9, v1  }
0x87: {  	v13 =	vand.u32 $0xFFFFFC00, v13;
	v0 =	vadd.s32 v3, v0;
	v3 =	vld [tilespmem:s26+$0x0];
	v2 =	vor.u32 v14, v2  }
0x88: {  	s28 =	simm.s32 $0x1E230;
	v4 =	vadd.s32 v4, v13;
	v7 =	vld [tilespmem:s8+$0x0];
	v0 =	vor.u32 v11, v0;
	v2 =	vor.u32 v10, v2  }
0x89: {  	v6 =	vld [tilespmem:s28+$0x0];
	v4 =	vor.u32 v12, v4;
	v8 =	vor.u32 v8, v0;
	v0 =	vand.u32 $0x7F, v5  }
0x8a: {  	v5 =	vld [tilespmem:s26+$0xFFFFFFF0];
	v4 =	vor.u32 v0, v4  }
0x8b: {  	v1 =	vld.idx.msk [tilespmem:v1+s2+$0x0], $0xffff  }
0x8c: {  	v9 =	vld [tilespmem:s28+$0xFFFFFFF0]  }
0x8d: {  	v11 =	vand.u32 $0x7F, v17;
	v17 =	vshll.u32 v17, $0x3;
	v2 =	vld.idx.msk [tilespmem:v2+s2+$0x0], $0xffff  }
0x8e: {  	v10 =	vand.u32 $0x7F, v16;
	v16 =	vshll.u32 v16, $0x3;
	v12 =	vand.u32 $0x7F, v15;
	v8 =	vld.idx.msk [tilespmem:v8+s2+$0x0], $0xffff  }
0x8f: {  	v13 =	vshll.u32 v3, $0x7;
	v3 =	vshll.u32 v3, $0x8;
	v18 =	vshll.u32 v7, $0x3;
	v4 =	vld.idx.msk [tilespmem:v4+s2+$0x0], $0xffff  }
0x90: {  	v15 =	vshll.u32 v15, $0x3;
	v14 =	vshll.u32 v6, $0x7;
	v1 =	vsub.f32 $0.0e+00, v1  }
0x91: {  	v6 =	vshll.u32 v6, $0x8;
	v13 =	vand.u32 $0x380, v13;
	v15 =	vand.u32 $0xFFFFFC00, v15  }
0x92: {  	v19 =	vshll.u32 v5, $0x8;
	v2 =	vsub.f32 $0.0e+00, v2;
	v1 =	vmul.f32 $1.442695020e+00, v1  }
0x93: {  	v5 =	vshll.u32 v5, $0x7;
	v20 =	vshll.u32 v9, $0x7;
	v8 =	vsub.f32 $0.0e+00, v8  }
0x94: {  	v4 =	vsub.f32 $0.0e+00, v4;
	v2 =	vmul.f32 $1.442695020e+00, v2;
	(erf) = vpow2.f32 v1  }
0x95: {  	v9 =	vshll.u32 v9, $0x8;
	v14 =	vand.u32 $0x380, v14;
	v8 =	vmul.f32 $1.442695020e+00, v8  }
0x96: {  	v9 =	vand.u32 $0xFFFFF800, v9;
	v1 =	vmul.f32 $1.442695020e+00, v4;
	(erf) = vpow2.f32 v2  }
0x97: {  	v4 =	vand.u32 $0xFFFFF800, v6;
	v6 =	vand.u32 $0xFFFFFC00, v18;
	(erf) = vpow2.f32 v8  }
0x98: {  	s3 =	simm.s32 $0x1E350;
	v2 =	vand.u32 $0xFFFFF800, v3;
	v3 =	vand.u32 $0xFFFFFC00, v16;
	v16 =	vand.u32 $0xFFFFFC00, v17  }
0x99: {  	s31 =	simm.s32 $0x1E150;
	v18 =	vld [tilespmem:s3+$0xFFFFFFF0];
	(erf) = vpow2.f32 v1;
	v1 =	vand.u32 $0x380, v5;
	v5 =	vand.u32 $0xFFFFF800, v19  }
0x9a: {  	v17 =	vld [tilespmem:s31+$0xFFFFFFF0];
	v2 =	vadd.s32 v2, v3;
	v3 =	vadd.s32 v4, v6;
	v5 =	vadd.s32 v5, v16  }
0x9b: {  	s4 =	simm.s32 $0x1E050;
	v8 =	vld [tilespmem:s31+$0x0];
	v4 =	vand.u32 $0x7F, v7;
	v2 =	vor.u32 v13, v2;
	v1 =	vor.u32 v1, v5  }
0x9c: {  	v3 =	vor.u32 v14, v3;
	v6 =	vor.u32 v10, v2;
	v10 =	vld [tilespmem:s4+$0xFFFFFFF0];
	v11 =	vor.u32 v11, v1  }
0x9d: {  	s5 =	simm.s32 $0x1E250;
	v16 =	vand.u32 $0x380, v20;
	v13 =	vor.u32 v4, v3;
	v5 =	vadd.s32 v9, v15;
	v9 =	vld [tilespmem:s4+$0x0];
	v7 =	vpop (erf)  }
0x9e: {  	v15 =	vld [tilespmem:s5+$0xFFFFFFF0];
	v1 =	vor.u32 v16, v5;
	v7 =	vadd.f32 $1.000000000e+00, v7  }
0x9f: {  	v5 =	vld [tilespmem:s5+$0x0];
	v12 =	vor.u32 v12, v1;
	v14 =	vpop (erf)  }
0xa0: {  	v0 =	vimm.f32 $0.0e+00;
	v1 =	vld [tilespmem:s3+$0x0];
	v14 =	vadd.f32 $1.000000000e+00, v14;
	v16 =	vpop (erf)  }
0xa1: {  	v3 =	vand.u32 $0x7F, v18;
	v11 =	vld.idx.msk [tilespmem:v11+s2+$0x0], $0xffff;
	v16 =	vadd.f32 $1.000000000e+00, v16;
	(erf) = vrcp.f32 v7  }
0xa2: {  	v4 =	vand.u32 $0x7F, v17;
	v2 =	vand.u32 $0x7F, v8;
	v24 =	vld.idx.msk [tilespmem:v13+s2+$0x0], $0xffff;
	(erf) = vrcp.f32 v14;
	v7 =	vpop (erf)  }
0xa3: {  	v8 =	vshll.u32 v8, $0x3;
	(erf) = vrcp.f32 v16;
	v16 =	vld.idx.msk [tilespmem:v6+s2+$0x0], $0xffff;
	v7 =	vadd.f32 $1.000000000e+00, v7  }
0xa4: {  	v25 =	vshll.u32 v10, $0x8;
	v10 =	vshll.u32 v10, $0x7;
	v13 =	vshll.u32 v17, $0x3;
	v21 =	vld.idx.msk [tilespmem:v12+s2+$0x0], $0xffff  }
0xa5: {  	v19 =	vshll.u32 v9, $0x7;
	v9 =	vshll.u32 v9, $0x8;
	(erf) = vrcp.f32 v7  }
0xa6: {  	v26 =	vshll.u32 v15, $0x7;
	v20 =	vshll.u32 v5, $0x7;
	v17 =	vsub.f32 $0.0e+00, v11  }
0xa7: {  	v22 =	vshll.u32 v5, $0x8;
	v23 =	vshll.u32 v1, $0x3;
	v14 =	vshll.u32 v15, $0x8  }
0xa8: {  	v15 =	vshll.u32 v18, $0x3;
	v17 =	vmul.f32 $1.442695020e+00, v17;
	v18 =	vsub.f32 $0.0e+00, v16  }
0xa9: {  	v6 =	vand.u32 $0x380, v19;
	v11 =	vand.u32 $0xFFFFF800, v9;
	v9 =	vsub.f32 $0.0e+00, v21  }
0xaa: {  	v19 =	vsub.f32 $0.0e+00, v24;
	v16 =	vand.u32 $0x380, v10;
	v10 =	vmul.f32 $1.442695020e+00, v18  }
0xab: {  	v5 =	vand.u32 $0x380, v20;
	v12 =	vand.u32 $0xFFFFFC00, v8;
	v9 =	vmul.f32 $1.442695020e+00, v9;
	v20 =	vpop (erf)  }
0xac: {  	v8 =	vand.u32 $0xFFFFFC00, v23;
	v19 =	vmul.f32 $1.442695020e+00, v19;
	(erf) = vpow2.f32 v17;
	v17 =	vpop (erf)  }
0xad: {  	v7 =	vand.u32 $0xFFFFF800, v22;
	(erf) = vpow2.f32 v9;
	v9 =	vsub.f32 v20, v17;
	v20 =	vpop (erf)  }
0xae: {  	v18 =	vand.u32 $0xFFFFF800, v25;
	v17 =	vand.u32 $0x380, v26;
	(erf) = vpow2.f32 v10;
	v10 =	vpop (erf)  }
0xaf: {  	s6 =	simm.s32 $0x4;
	s7 =	simm.s32 $0x1E170;
	(erf) = vpow2.f32 v19;
	v9 =	vmul.f32 v9, v9;
	v10 =	vsub.f32 v20, v10  }
.LBB2_2:
0xb0: {  	v19 =	vld [tilespmem:s7+$0x0];
	v13 =	vand.u32 $0xFFFFFC00, v13;
	v14 =	vand.u32 $0xFFFFF800, v14;
	v15 =	vand.u32 $0xFFFFFC00, v15  }
0xb1: {  	s3 =	sadd.s32 $0x20, s3;
	v20 =	vld [tilespmem:s7+$0xFFFFFFF0];
	v13 =	vadd.s32 v18, v13;
	v0 =	vadd.f32 v9, v0;
	v9 =	vmul.f32 v10, v10  }
0xb2: {  	v11 =	vadd.s32 v11, v12;
	s4 =	sadd.s32 $0x20, s4;
	v14 =	vadd.s32 v14, v15;
	v10 =	vld [tilespmem:s3+$0xFFFFFFF0];
	v13 =	vor.u32 v16, v13  }
0xb3: {  	s5 =	sadd.s32 $0x20, s5;
	v12 =	vld [tilespmem:s4+$0x0];
	v13 =	vor.u32 v4, v13;
	v4 =	vor.u32 v17, v14;
	v0 =	vadd.f32 v9, v0  }
0xb4: {  	v9 =	vld [tilespmem:s5+$0x0];
	v14 =	vor.u32 v3, v4;
	v3 =	vor.u32 v6, v11;
	v4 =	vadd.s32 v7, v8  }
0xb5: {  	v6 =	vor.u32 v2, v3;
	v3 =	vand.u32 $0x7F, v1;
	v1 =	vld [tilespmem:s3+$0x0];
	v4 =	vor.u32 v5, v4;
	v5 =	vpop (erf)  }
0xb6: {  	v2 =	vand.u32 $0x7F, v19;
	v7 =	vld [tilespmem:s4+$0xFFFFFFF0];
	v8 =	vor.u32 v3, v4;
	v21 =	vadd.f32 $1.000000000e+00, v5;
	v11 =	vpop (erf)  }
0xb7: {  	v4 =	vand.u32 $0x7F, v20;
	v15 =	vld [tilespmem:s5+$0xFFFFFFF0];
	v3 =	vand.u32 $0x7F, v10;
	v11 =	vadd.f32 $1.000000000e+00, v11;
	v16 =	vpop (erf)  }
0xb8: {  	v17 =	vshll.u32 v12, $0x7;
	v18 =	vld.idx.msk [tilespmem:v13+s2+$0x0], $0xffff;
	v13 =	vadd.f32 $1.000000000e+00, v16;
	(erf) = vrcp.f32 v21;
	v5 =	vpop (erf)  }
0xb9: {  	v16 =	vshll.u32 v9, $0x7;
	v21 =	vld.idx.msk [tilespmem:v14+s2+$0x0], $0xffff;
	v5 =	vadd.f32 $1.000000000e+00, v5;
	(erf) = vrcp.f32 v11  }
0xba: {  	v11 =	vshll.u32 v12, $0x8;
	v12 =	vshll.u32 v19, $0x3;
	v19 =	vld.idx.msk [tilespmem:v6+s2+$0x0], $0xffff;
	(erf) = vrcp.f32 v13  }
0xbb: {  	v9 =	vshll.u32 v9, $0x8;
	v22 =	vshll.u32 v1, $0x3;
	v23 =	vld.idx.msk [tilespmem:v8+s2+$0x0], $0xffff;
	(erf) = vrcp.f32 v5  }
0xbc: {  	v24 =	vshll.u32 v7, $0x8;
	v25 =	vshll.u32 v7, $0x7;
	v26 =	vshll.u32 v15, $0x7  }
0xbd: {  	v13 =	vshll.u32 v20, $0x3;
	v14 =	vshll.u32 v15, $0x8;
	v15 =	vshll.u32 v10, $0x3  }
0xbe: {  	v6 =	vand.u32 $0x380, v17;
	v5 =	vand.u32 $0x380, v16;
	v8 =	vsub.f32 $0.0e+00, v18  }
0xbf: {  	s6 =	sadd.s32 $0x2, s6;
	v11 =	vand.u32 $0xFFFFF800, v11;
	v12 =	vand.u32 $0xFFFFFC00, v12;
	v10 =	vsub.f32 $0.0e+00, v21  }
0xc0: {  	p1 =	slt.u32 s6, $0xE;
	v7 =	vand.u32 $0xFFFFF800, v9;
	v21 =	vmul.f32 $1.442695020e+00, v8;
	v17 =	vsub.f32 $0.0e+00, v19  }
.Ltmp0:
0xc1: {  	v8 =	vand.u32 $0xFFFFFC00, v22;
	v22 =	vmul.f32 $1.442695020e+00, v10;
	v18 =	vsub.f32 $0.0e+00, v23;
	v19 =	vpop (erf);
	(pc) =	sbr.rel @p1 .LBB2_2-.Ltmp0, $4  }
0xc2: {  	v16 =	vand.u32 $0x380, v25;
	v20 =	vmul.f32 $1.442695020e+00, v17;
	(erf) = vpow2.f32 v21;
	v9 =	vpop (erf)  }
0xc3: {  	v21 =	vmul.f32 $1.442695020e+00, v18;
	(erf) = vpow2.f32 v22;
	v9 =	vsub.f32 v19, v9;
	v10 =	vpop (erf)  }
0xc4: {  	v17 =	vand.u32 $0x380, v26;
	v18 =	vand.u32 $0xFFFFF800, v24;
	(erf) = vpow2.f32 v20;
	v19 =	vpop (erf)  }
0xc5: {  	s7 =	sadd.s32 $0x20, s7;
	(erf) = vpow2.f32 v21;
	v9 =	vmul.f32 v9, v9;
	v10 =	vsub.f32 v10, v19  }
0xc6: {  	v13 =	vand.u32 $0xFFFFFC00, v13  }
0xc7: {  	v13 =	vadd.s32 v18, v13  }
0xc8: {  	v13 =	vor.u32 v16, v13  }
0xc9: {  	v14 =	vand.u32 $0xFFFFF800, v14;
	v15 =	vand.u32 $0xFFFFFC00, v15;
	v4 =	vor.u32 v4, v13  }
0xca: {  	v7 =	vadd.s32 v7, v8;
	v14 =	vadd.s32 v14, v15  }
0xcb: {  	v11 =	vadd.s32 v11, v12;
	v5 =	vor.u32 v5, v7;
	v12 =	vor.u32 v17, v14  }
0xcc: {  	v6 =	vor.u32 v6, v11;
	v3 =	vor.u32 v3, v12  }
0xcd: {  	v1 =	vand.u32 $0x7F, v1;
	v2 =	vor.u32 v2, v6  }
0xce: {  	v1 =	vor.u32 v1, v5;
	v5 =	vpop (erf);
	v4 =	vld.idx.msk [tilespmem:v4+s2+$0x0], $0xffff  }
0xcf: {  	v5 =	vadd.f32 $1.000000000e+00, v5;
	_ =	sdelay $0x1  }
0xd0: {  	v6 =	vpop (erf);
	v3 =	vld.idx.msk [tilespmem:v3+s2+$0x0], $0xffff  }
0xd1: {  	v2 =	vld.idx.msk [tilespmem:v2+s2+$0x0], $0xffff;
	v6 =	vadd.f32 $1.000000000e+00, v6;
	v7 =	vpop (erf)  }
0xd2: {  	v1 =	vld.idx.msk [tilespmem:v1+s2+$0x0], $0xffff;
	v7 =	vadd.f32 $1.000000000e+00, v7;
	(erf) = vrcp.f32 v5;
	v5 =	vpop (erf);
	v4 =	vsub.f32 $0.0e+00, v4  }
0xd3: {  	(erf) = vrcp.f32 v6;
	v5 =	vadd.f32 $1.000000000e+00, v5  }
0xd4: {  	(erf) = vrcp.f32 v7;
	v4 =	vmul.f32 $1.442695020e+00, v4  }
0xd5: {  	v3 =	vsub.f32 $0.0e+00, v3;
	(erf) = vrcp.f32 v5  }
0xd6: {  	v2 =	vsub.f32 $0.0e+00, v2;
	(erf) = vpow2.f32 v4  }
0xd7: {  	v1 =	vsub.f32 $0.0e+00, v1;
	v3 =	vmul.f32 $1.442695020e+00, v3  }
0xd8: {  	v2 =	vmul.f32 $1.442695020e+00, v2  }
0xd9: {  	v1 =	vmul.f32 $1.442695020e+00, v1;
	(erf) = vpow2.f32 v3  }
0xda: {  	(erf) = vpow2.f32 v2  }
0xdb: {  	v56 =	vpop (erf);
	(erf) = vpow2.f32 v1  }
0xdc: {  	v57 =	vpop (erf)  }
0xdd: {  	v3 =	vpop (erf)  }
0xde: {  	v4 =	vpop (erf)  }
0xdf: {  	v5 =	vpop (erf)  }
0xe0: {  	v5 =	vadd.f32 $1.000000000e+00, v5;
	_ =	sdelay $0x1  }
0xe1: {  	v6 =	vpop (erf)  }
0xe2: {  	v6 =	vadd.f32 $1.000000000e+00, v6;
	v7 =	vpop (erf)  }
0xe3: {  	v7 =	vadd.f32 $1.000000000e+00, v7;
	(erf) = vrcp.f32 v5;
	v5 =	vpop (erf)  }
0xe4: {  	(erf) = vrcp.f32 v6;
	v5 =	vadd.f32 $1.000000000e+00, v5  }
0xe5: {  	(erf) = vrcp.f32 v7  }
0xe6: {  	(erf) = vrcp.f32 v5;
	_ =	sdelay $0x5  }
0xe7: {  	v5 =	vpop (erf)  }
0xe8: {  	v6 =	vpop (erf)  }
0xe9: {  	v7 =	vpop (erf)  }
0xea: {  	v8 =	vpop (erf)  }
0xeb: {  	_ =	swait.ge [sflag:s30], $0xE000  }
0xec: {  	[sflag:s30] =	ssyncset.done $0x0  }
0xed: {  	s7 =	simm.s32 $0x1D020;
	[sflag:s30] =	ssyncadd.s32 $0xFFFF2000  }
0xee: {  	s26 =	simm.s32 $0x1D420;
	v14 =	vld [tilespmem:s7+$0x10]  }
0xef: {  	s28 =	simm.s32 $0x1D820;
	v0 =	vadd.f32 v9, v0;
	v9 =	vmul.f32 v10, v10;
	v15 =	vld [tilespmem:s26+$0x10]  }
0xf0: {  	s31 =	simm.s32 $0x1DC20;
	v16 =	vld [tilespmem:s28+$0x10]  }
0xf1: {  	v0 =	vadd.f32 v9, v0;
	v9 =	vld [tilespmem:s31+$0x10]  }
0xf2: {  	v1 =	vsub.f32 v56, v57;
	v17 =	vld [tilespmem:s7+$0x0]  }
0xf3: {  	v19 =	vld [tilespmem:s26+$0x0]  }
0xf4: {  	v1 =	vmul.f32 v1, v1;
	v58 =	vsub.f32 v3, v4;
	v20 =	vld [tilespmem:s28+$0x0]  }
0xf5: {  	v62 =	vsub.f32 v7, v8;
	v8 =	vld [tilespmem:s31+$0x0]  }
0xf6: {  	v0 =	vadd.f32 v1, v0;
	v59 =	vmul.f32 v58, v58;
	v60 =	vsub.f32 v5, v6;
	v12 =	vld [tilespmem:s26+$0xFFFFFFF0]  }
0xf7: {  	v11 =	vld [tilespmem:s31+$0xFFFFFFF0]  }
0xf8: {  	s3 =	simm.s32 $0x1C020;
	v0 =	vadd.f32 v59, v0;
	v61 =	vmul.f32 v60, v60;
	v10 =	vld [tilespmem:s26+$0xFFFFFFE0]  }
0xf9: {  	s4 =	simm.s32 $0x1C420;
	v24 =	vld [tilespmem:s3+$0x0]  }
0xfa: {  	v0 =	vadd.f32 v61, v0;
	v63 =	vmul.f32 v62, v62;
	v25 =	vld [tilespmem:s4+$0x0]  }
0xfb: {  	v48 =	vimm.f32 $0.0e+00;
	v26 =	vld [tilespmem:s4+$0xFFFFFFF0]  }
0xfc: {  	v29 =	vld [tilespmem:s4+$0xFFFFFFE0];
	v0 =	vadd.f32 v63, v0;
	v50 =	vand.u32 $0x7F, v15;
	v49 =	vand.u32 $0x7F, v9  }
0xfd: {  	v30 =	vld [tilespmem:s3+$0xFFFFFFE0];
	v7 =	vand.u32 $0x7F, v19;
	v51 =	vand.u32 $0x7F, v8;
	v13 =	vshll.u32 v14, $0x7  }
0xfe: {  	s6 =	simm.s32 $0x1C820;
	v36 =	vld [tilespmem:s3+$0xFFFFFFF0];
	v27 =	vshll.u32 v14, $0x8;
	v28 =	vshll.u32 v15, $0x3;
	v14 =	vshll.u32 v16, $0x7  }
0xff: {  	v2 =	vld [tilespmem:s6+$0xFFFFFFF0];
	v5 =	vand.u32 $0x7F, v12;
	v16 =	vshll.u32 v16, $0x8;
	v15 =	vshll.u32 v9, $0x3  }
0x100: {  	v43 =	vld [tilespmem:s3+$0x10];
	v6 =	vand.u32 $0x7F, v11;
	v18 =	vshll.u32 v17, $0x7;
	v21 =	vshll.u32 v20, $0x7  }
0x101: {  	s5 =	simm.s32 $0x1CC20;
	v44 =	vld [tilespmem:s4+$0x10];
	v23 =	vshll.u32 v17, $0x8;
	v22 =	vshll.u32 v19, $0x3;
	v20 =	vshll.u32 v20, $0x8  }
0x102: {  	v47 =	vld [tilespmem:s5+$0x10];
	v17 =	vshll.u32 v8, $0x3;
	v8 =	vand.u32 $0x7F, v10;
	v19 =	vand.u32 $0x7F, v25  }
0x103: {  	v38 =	vld [tilespmem:s28+$0xFFFFFFF0];
	v31 =	vand.u32 $0x7F, v26;
	v32 =	vshll.u32 v24, $0x8;
	v24 =	vshll.u32 v24, $0x7  }
0x104: {  	v25 =	vshll.u32 v25, $0x3;
	v34 =	vand.u32 $0x7F, v29;
	v37 =	vshll.u32 v30, $0x7  }
0x105: {  	v30 =	vshll.u32 v30, $0x8;
	v29 =	vshll.u32 v29, $0x3;
	v40 =	vshll.u32 v36, $0x7  }
0x106: {  	v36 =	vshll.u32 v36, $0x8;
	v26 =	vshll.u32 v26, $0x3;
	v41 =	vshll.u32 v2, $0x8  }
0x107: {  	v52 =	vshll.u32 v43, $0x8;
	v53 =	vshll.u32 v44, $0x3;
	v58 =	vand.u32 $0x7F, v47  }
0x108: {  	v33 =	vld [tilespmem:s6+$0xFFFFFFE0];
	v61 =	vshll.u32 v38, $0x7;
	v62 =	vshll.u32 v12, $0x3;
	v38 =	vshll.u32 v38, $0x8  }
0x109: {  	v32 =	vand.u32 $0xFFFFF800, v32;
	v24 =	vand.u32 $0x380, v24;
	v25 =	vand.u32 $0xFFFFFC00, v25  }
0x10a: {  	v30 =	vand.u32 $0xFFFFF800, v30;
	v29 =	vand.u32 $0xFFFFFC00, v29;
	v37 =	vand.u32 $0x380, v37  }
0x10b: {  	v36 =	vand.u32 $0xFFFFF800, v36;
	v26 =	vand.u32 $0xFFFFFC00, v26;
	v27 =	vand.u32 $0xFFFFF800, v27  }
0x10c: {  	v28 =	vand.u32 $0xFFFFFC00, v28;
	v25 =	vadd.s32 v32, v25;
	v29 =	vadd.s32 v30, v29  }
0x10d: {  	v30 =	vshll.u32 v33, $0x8;
	v33 =	vshll.u32 v33, $0x7;
	v26 =	vadd.s32 v36, v26  }
0x10e: {  	v9 =	vld [tilespmem:s5+$0xFFFFFFE0];
	v32 =	vshll.u32 v2, $0x7;
	v36 =	vshll.u32 v43, $0x7;
	v43 =	vshll.u32 v10, $0x3  }
0x10f: {  	v10 =	vand.u32 $0x380, v14;
	v14 =	vand.u32 $0x380, v21;
	v24 =	vor.u32 v24, v25  }
0x110: {  	v25 =	vld [tilespmem:s5+$0xFFFFFFF0];
	v29 =	vor.u32 v37, v29;
	v30 =	vand.u32 $0xFFFFF800, v30;
	v33 =	vand.u32 $0x380, v33  }
0x111: {  	v37 =	vand.u32 $0x380, v40;
	v32 =	vand.u32 $0x380, v32;
	v36 =	vand.u32 $0x380, v36  }
0x112: {  	v19 =	vor.u32 v19, v24;
	v24 =	vld [tilespmem:s5+$0x0];
	v29 =	vor.u32 v34, v29;
	v34 =	vand.u32 $0xFFFFF800, v41  }
0x113: {  	v59 =	vld [tilespmem:s28+$0xFFFFFFE0];
	v26 =	vor.u32 v37, v26;
	v35 =	vand.u32 $0x7F, v9;
	v9 =	vshll.u32 v9, $0x3  }
0x114: {  	v41 =	vshll.u32 v11, $0x3;
	v26 =	vor.u32 v31, v26;
	v31 =	vld [tilespmem:s6+$0x10];
	v9 =	vand.u32 $0xFFFFFC00, v9  }
0x115: {  	v11 =	vand.u32 $0x380, v13;
	v9 =	vadd.s32 v30, v9;
	v42 =	vshll.u32 v25, $0x3  }
0x116: {  	v30 =	vld [tilespmem:s6+$0x0];
	v9 =	vor.u32 v33, v9;
	v25 =	vand.u32 $0x7F, v25;
	v33 =	vand.u32 $0xFFFFFC00, v42  }
0x117: {  	v9 =	vor.u32 v35, v9;
	v46 =	vshll.u32 v24, $0x3;
	v24 =	vand.u32 $0x7F, v24  }
0x118: {  	v54 =	vld [tilespmem:s31+$0xFFFFFFE0];
	v35 =	vand.u32 $0x7F, v44;
	v42 =	vshll.u32 v59, $0x7;
	v44 =	vshll.u32 v59, $0x8  }
0x119: {  	v19 =	vld.idx.msk [tilespmem:v19+s2+$0x0], $0xffff;
	v33 =	vadd.s32 v34, v33;
	v55 =	vshll.u32 v31, $0x8;
	v31 =	vshll.u32 v31, $0x7  }
0x11a: {  	v29 =	vld.idx.msk [tilespmem:v29+s2+$0x0], $0xffff;
	v34 =	vand.u32 $0xFFFFFC00, v46;
	v32 =	vor.u32 v32, v33;
	v31 =	vand.u32 $0x380, v31  }
0x11b: {  	v33 =	vand.u32 $0xFFFFFC00, v22;
	v45 =	vshll.u32 v30, $0x8;
	v30 =	vshll.u32 v30, $0x7  }
0x11c: {  	v25 =	vor.u32 v25, v32;
	v32 =	vand.u32 $0xFFFFFC00, v53;
	v37 =	vand.u32 $0xFFFFF800, v45  }
0x11d: {  	v30 =	vand.u32 $0x380, v30;
	v45 =	vshll.u32 v54, $0x3;
	v34 =	vadd.s32 v37, v34  }
0x11e: {  	v37 =	vand.u32 $0xFFFFF800, v52;
	v57 =	vld.idx.msk [tilespmem:v9+s2+$0x0], $0xffff;
	v9 =	vand.u32 $0x7F, v54;
	v19 =	vsub.f32 $0.0e+00, v19  }
0x11f: {  	v29 =	vsub.f32 $0.0e+00, v29;
	v22 =	vand.u32 $0xFFFFFC00, v45;
	v30 =	vor.u32 v30, v34  }
0x120: {  	v32 =	vadd.s32 v37, v32;
	v37 =	vand.u32 $0xFFFFF800, v55;
	v34 =	vand.u32 $0xFFFFFC00, v17  }
0x121: {  	v30 =	vor.u32 v24, v30;
	v24 =	vshll.u32 v47, $0x3;
	v32 =	vor.u32 v36, v32  }
0x122: {  	v19 =	vmul.f32 $1.442695020e+00, v19;
	v29 =	vmul.f32 $1.442695020e+00, v29;
	v24 =	vand.u32 $0xFFFFFC00, v24  }
0x123: {  	v56 =	vld [tilespmem:s7+$0xFFFFFFF0];
	v35 =	vor.u32 v35, v32;
	v32 =	vand.u32 $0xFFFFF800, v23;
	v60 =	vsub.f32 $0.0e+00, v57  }
0x124: {  	v23 =	vld.idx.msk [tilespmem:v25+s2+$0x0], $0xffff;
	v25 =	vand.u32 $0xFFFFFC00, v62;
	v24 =	vadd.s32 v37, v24;
	(erf) = vpow2.f32 v19  }
0x125: {  	v19 =	vand.u32 $0xFFFFFC00, v15;
	v15 =	vand.u32 $0x380, v61;
	v12 =	vmul.f32 $1.442695020e+00, v60  }
0x126: {  	v24 =	vor.u32 v31, v24;
	v31 =	vld [tilespmem:s7+$0xFFFFFFE0];
	(erf) = vpow2.f32 v29;
	v29 =	vand.u32 $0xFFFFF800, v20  }
0x127: {  	(erf) = vpow2.f32 v12;
	v12 =	vand.u32 $0x380, v18;
	v18 =	vand.u32 $0xFFFFF800, v16;
	v16 =	vld.idx.msk [tilespmem:v26+s2+$0x0], $0xffff  }
0x128: {  	v39 =	vor.u32 v58, v24;
	v24 =	vadd.s32 v27, v28;
	v28 =	vshll.u32 v56, $0x7;
	v46 =	vld.idx.msk [tilespmem:v30+s2+$0x0], $0xffff  }
0x129: {  	v20 =	vand.u32 $0xFFFFF800, v38;
	v27 =	vshll.u32 v56, $0x8;
	v13 =	vand.u32 $0x380, v28;
	v47 =	vld.idx.msk [tilespmem:v35+s2+$0x0], $0xffff  }
0x12a: {  	v21 =	vand.u32 $0xFFFFF800, v27;
	v27 =	vand.u32 $0xFFFFFC00, v41;
	v63 =	vsub.f32 $0.0e+00, v23  }
0x12b: {  	v28 =	vand.u32 $0xFFFFFC00, v43;
	v23 =	vand.u32 $0xFFFFF800, v44;
	v40 =	vshll.u32 v31, $0x7  }
0x12c: {  	v31 =	vshll.u32 v31, $0x8;
	v35 =	vmul.f32 $1.442695020e+00, v63;
	v30 =	vsub.f32 $0.0e+00, v16  }
0x12d: {  	v17 =	vand.u32 $0x380, v40;
	v26 =	vand.u32 $0xFFFFF800, v31;
	v37 =	vsub.f32 $0.0e+00, v46  }
0x12e: {  	s8 =	simm.s32 $0x1D060;
	[tilespmem:$0x1FFF0] =	vst v0;
	s7 =	simm.s32 $0x0;
	v36 =	vsub.f32 $0.0e+00, v47;
	v16 =	vand.u32 $0x380, v42;
	v31 =	vmul.f32 $1.442695020e+00, v30;
	v30 =	vld.idx.msk [tilespmem:v39+s2+$0x0], $0xffff  }
.LBB2_4:
0x12f: {  	s26 =	sadd.s32 $0x40, s26;
	v21 =	vadd.s32 v21, v25;
	v25 =	vadd.s32 v29, v34;
	v29 =	vld [tilespmem:s8+$0x0]  }
0x130: {  	v18 =	vadd.s32 v18, v19;
	s28 =	sadd.s32 $0x40, s28;
	v19 =	vadd.s32 v32, v33;
	(erf) = vpow2.f32 v31;
	v31 =	vld [tilespmem:s26+$0x10]  }
0x131: {  	s31 =	sadd.s32 $0x40, s31;
	v26 =	vadd.s32 v26, v28;
	v20 =	vadd.s32 v20, v27;
	v22 =	vadd.s32 v23, v22;
	v45 =	vld [tilespmem:s28+$0x10]  }
0x132: {  	v11 =	vor.u32 v11, v24;
	v37 =	vmul.f32 $1.442695020e+00, v37;
	v36 =	vmul.f32 $1.442695020e+00, v36;
	v46 =	vld [tilespmem:s31+$0x10]  }
0x133: {  	v27 =	vld [tilespmem:s26+$0x0];
	v10 =	vor.u32 v10, v18;
	v13 =	vor.u32 v13, v21;
	v0 =	vor.u32 v12, v19  }
0x134: {  	s3 =	sadd.s32 $0x40, s3;
	v14 =	vor.u32 v14, v25;
	v1 =	vor.u32 v17, v26;
	v16 =	vor.u32 v16, v22;
	v22 =	vld [tilespmem:s26+$0xFFFFFFF0]  }
0x135: {  	s4 =	sadd.s32 $0x40, s4;
	v15 =	vor.u32 v15, v20;
	v40 =	vld [tilespmem:s3+$0x10];
	(erf) = vpow2.f32 v35;
	v8 =	vor.u32 v8, v1  }
0x136: {  	s5 =	sadd.s32 $0x40, s5;
	v59 =	vld [tilespmem:s4+$0x10];
	v9 =	vor.u32 v9, v16;
	v6 =	vor.u32 v6, v15;
	(erf) = vpow2.f32 v37  }
0x137: {  	s6 =	sadd.s32 $0x40, s6;
	v60 =	vld [tilespmem:s5+$0x10];
	v14 =	vor.u32 v51, v14;
	v30 =	vsub.f32 $0.0e+00, v30;
	(erf) = vpow2.f32 v36  }
0x138: {  	v41 =	vld [tilespmem:s6+$0x10];
	v7 =	vor.u32 v7, v0;
	v5 =	vor.u32 v5, v13;
	v11 =	vor.u32 v50, v11  }
0x139: {  	v34 =	vshll.u32 v29, $0x7;
	v30 =	vmul.f32 $1.442695020e+00, v30;
	v50 =	vand.u32 $0x7F, v31  }
0x13a: {  	v51 =	vand.u32 $0x7F, v46;
	v52 =	vand.u32 $0x7F, v27;
	v54 =	vand.u32 $0x7F, v22  }
0x13b: {  	v18 =	vpop (erf);
	v32 =	vshll.u32 v45, $0x8;
	v33 =	vshll.u32 v46, $0x3;
	v36 =	vshll.u32 v59, $0x3  }
0x13c: {  	v23 =	vld [tilespmem:s28+$0x0];
	v35 =	vshll.u32 v60, $0x3;
	v18 =	vadd.f32 $1.000000000e+00, v18;
	[tilespmem:$0x1FFB0] =	vst v51;
	(erf) = vpow2.f32 v30  }
0x13d: {  	v26 =	vld [tilespmem:s31+$0xFFFFFFF0];
	v19 =	vpop (erf);
	[tilespmem:$0x1FFC0] =	vst v52;
	v51 =	vshll.u32 v40, $0x7;
	v52 =	vshll.u32 v41, $0x7;
	v40 =	vshll.u32 v40, $0x8  }
0x13e: {  	v38 =	vld [tilespmem:s8+$0x10];
	v41 =	vshll.u32 v41, $0x8;
	v36 =	vand.u32 $0xFFFFFC00, v36;
	v19 =	vadd.f32 $1.000000000e+00, v19;
	v12 =	vpop (erf)  }
0x13f: {  	v43 =	vld [tilespmem:s4+$0x0];
	v35 =	vand.u32 $0xFFFFFC00, v35;
	v47 =	vadd.f32 $1.000000000e+00, v12;
	v17 =	vpop (erf);
	(erf) = vrcp.f32 v18  }
0x140: {  	v16 =	vadd.f32 $1.000000000e+00, v17;
	(erf) = vrcp.f32 v19;
	v17 =	vpop (erf);
	v19 =	vshll.u32 v45, $0x7;
	v45 =	vld [tilespmem:s5+$0x0]  }
0x141: {  	v18 =	vshll.u32 v31, $0x3;
	v31 =	vld.idx.msk [tilespmem:v14+s29+$0x0], $0xffff;
	v14 =	vshll.u32 v23, $0x7;
	(erf) = vrcp.f32 v47;
	v12 =	vpop (erf)  }
0x142: {  	v30 =	vld.idx.msk [tilespmem:v6+s29+$0x0], $0xffff;
	v6 =	vand.u32 $0x7F, v26;
	v14 =	vand.u32 $0x380, v14;
	v13 =	vadd.f32 $1.000000000e+00, v17;
	v15 =	vpop (erf)  }
0x143: {  	v28 =	vld [tilespmem:s8+$0xFFFFFFE0];
	v12 =	vadd.f32 $1.000000000e+00, v12;
	(erf) = vrcp.f32 v16;
	v4 =	vadd.f32 $1.000000000e+00, v15  }
0x144: {  	v8 =	vld.idx.msk [tilespmem:v8+s29+$0x0], $0xffff;
	(erf) = vrcp.f32 v13;
	v13 =	vor.u32 v49, v10;
	v10 =	vshll.u32 v38, $0x7  }
0x145: {  	[tilespmem:$0x1FFD0] =	vst v50;
	v25 =	vld.idx.msk [tilespmem:v7+s29+$0x0], $0xffff;
	v50 =	vand.u32 $0x7F, v45;
	v45 =	vshll.u32 v45, $0x3;
	v7 =	vpop (erf);
	(erf) = vrcp.f32 v12  }
0x146: {  	v9 =	vld.idx.msk [tilespmem:v9+s29+$0x0], $0xffff;
	v12 =	vshll.u32 v38, $0x8;
	v38 =	vand.u32 $0x7F, v43;
	v43 =	vshll.u32 v43, $0x3  }
0x147: {  	v21 =	vld [tilespmem:s31+$0x0];
	v45 =	vand.u32 $0xFFFFFC00, v45;
	v7 =	vadd.f32 $1.000000000e+00, v7;
	(erf) = vrcp.f32 v4  }
0x148: {  	v17 =	vld.idx.msk [tilespmem:v5+s29+$0x0], $0xffff;
	v3 =	vand.u32 $0xFFFFF800, v12;
	v4 =	vand.u32 $0xFFFFFC00, v18;
	v12 =	vand.u32 $0x380, v34;
	v53 =	vpop (erf)  }
0x149: {  	v20 =	vld [tilespmem:s8+$0xFFFFFFF0];
	v18 =	vand.u32 $0xFFFFF800, v32;
	v32 =	vand.u32 $0xFFFFF800, v40;
	v34 =	vand.u32 $0x380, v52;
	v15 =	vpop (erf)  }
0x14a: {  	v40 =	vand.u32 $0xFFFFF800, v41;
	v43 =	vand.u32 $0xFFFFFC00, v43;
	v55 =	vld.idx.msk [tilespmem:v13+s29+$0x0], $0xffff;
	v13 =	vshll.u32 v29, $0x8;
	v16 =	vpop (erf)  }
0x14b: {  	v24 =	vld [tilespmem:s28+$0xFFFFFFF0];
	v32 =	vadd.s32 v32, v36;
	v8 =	vsub.f32 v15, v8;
	v9 =	vsub.f32 v16, v9  }
0x14c: {  	v42 =	vld [tilespmem:s3+$0x0];
	(erf) = vrcp.f32 v7;
	v7 =	vand.u32 $0x7F, v21;
	v15 =	vshll.u32 v23, $0x8;
	v29 =	vpop (erf)  }
0x14d: {  	v56 =	vld [tilespmem:s26+$0xFFFFFFE0];
	v23 =	vsub.f32 v29, v17;
	v17 =	vpop (erf);
	v8 =	vmul.f32 v8, v8;
	v9 =	vmul.f32 v9, v9  }
0x14e: {  	v11 =	vld.idx.msk [tilespmem:v11+s29+$0x0], $0xffff;
	v58 =	vsub.f32 v17, v30;
	v17 =	vshll.u32 v21, $0x3;
	v21 =	vsub.f32 v53, v25  }
0x14f: {  	v39 =	vld [tilespmem:s31+$0xFFFFFFE0];
	v16 =	vshll.u32 v27, $0x3;
	v8 =	vadd.f32 v9, v8;
	v9 =	vmul.f32 v23, v23  }
0x150: {  	v37 =	vld [tilespmem:s4+$0xFFFFFFE0];
	v30 =	vshll.u32 v24, $0x8;
	v29 =	vpop (erf);
	v23 =	vmul.f32 v58, v58;
	v21 =	vmul.f32 v21, v21  }
0x151: {  	v58 =	vshll.u32 v42, $0x8;
	v42 =	vshll.u32 v42, $0x7;
	v25 =	vsub.f32 v29, v31  }
0x152: {  	v53 =	vld [tilespmem:s6+$0xFFFFFFF0];
	v29 =	vpop (erf);
	v31 =	vshll.u32 v26, $0x3;
	v26 =	vshll.u32 v28, $0x8;
	v41 =	vand.u32 $0xFFFFF800, v58  }
0x153: {  	v42 =	vand.u32 $0x380, v42;
	v11 =	vsub.f32 v29, v11;
	v61 =	vadd.f32 v8, v48  }
0x154: {  	v46 =	vld [tilespmem:s4+$0xFFFFFFF0];
	v23 =	vadd.f32 v23, v9;
	v8 =	vand.u32 $0x7F, v56;
	v9 =	vand.u32 $0x7F, v39  }
0x155: {  	v49 =	vld [tilespmem:s5+$0xFFFFFFE0];
	v29 =	vshll.u32 v20, $0x7;
	v48 =	vand.u32 $0x7F, v60;
	v60 =	vand.u32 $0x7F, v37  }
0x156: {  	v37 =	vshll.u32 v37, $0x3;
	v41 =	vadd.s32 v41, v43;
	v26 =	vand.u32 $0xFFFFF800, v26  }
0x157: {  	v27 =	vpop (erf);
	v25 =	vmul.f32 v25, v25;
	v0 =	vshll.u32 v53, $0x7;
	v53 =	vshll.u32 v53, $0x8  }
0x158: {  	v57 =	vld [tilespmem:s28+$0xFFFFFFE0];
	v37 =	vand.u32 $0xFFFFFC00, v37;
	v41 =	vor.u32 v42, v41;
	v27 =	vsub.f32 v27, v55  }
0x159: {  	v44 =	vld [tilespmem:s6+$0x0];
	v11 =	vmul.f32 v11, v11;
	v1 =	vadd.f32 v23, v61;
	v55 =	vand.u32 $0x7F, v46  }
0x15a: {  	v61 =	vand.u32 $0x7F, v49;
	v46 =	vshll.u32 v46, $0x3;
	v49 =	vshll.u32 v49, $0x3  }
0x15b: {  	v0 =	vand.u32 $0x380, v0;
	v53 =	vand.u32 $0xFFFFF800, v53;
	v38 =	vor.u32 v38, v41  }
0x15c: {  	v23 =	vadd.f32 v25, v21;
	v21 =	vshll.u32 v20, $0x8;
	v20 =	vshll.u32 v24, $0x7  }
0x15d: {  	[tilespmem:$0x1FFE0] =	vst v54;
	v54 =	vld [tilespmem:s3+$0xFFFFFFE0];
	v25 =	vshll.u32 v22, $0x3;
	v24 =	vshll.u32 v57, $0x8;
	v22 =	vshll.u32 v39, $0x3  }
0x15e: {  	v47 =	vld [tilespmem:s5+$0xFFFFFFF0];
	v39 =	vand.u32 $0x7F, v59;
	v59 =	vshll.u32 v44, $0x7;
	v27 =	vmul.f32 v27, v27  }
0x15f: {  	v44 =	vshll.u32 v44, $0x8;
	v46 =	vand.u32 $0xFFFFFC00, v46;
	v1 =	vadd.f32 v23, v1  }
0x160: {  	v11 =	vadd.f32 v27, v11;
	v27 =	vshll.u32 v28, $0x7;
	v28 =	vshll.u32 v57, $0x7;
	v57 =	vld [tilespmem:s6+$0xFFFFFFE0]  }
0x161: {  	v44 =	vand.u32 $0xFFFFF800, v44;
	v21 =	vand.u32 $0xFFFFF800, v21;
	v23 =	vshll.u32 v56, $0x3  }
0x162: {  	v5 =	vadd.f32 v11, v1;
	v11 =	vld [tilespmem:s3+$0xFFFFFFF0];
	v1 =	vshll.u32 v54, $0x7;
	v54 =	vshll.u32 v54, $0x8  }
0x163: {  	v56 =	vand.u32 $0x7F, v47;
	v47 =	vshll.u32 v47, $0x3;
	v54 =	vand.u32 $0xFFFFF800, v54  }
0x164: {  	v47 =	vand.u32 $0xFFFFFC00, v47;
	v1 =	vand.u32 $0x380, v1;
	v37 =	vadd.s32 v54, v37  }
0x165: {  	v54 =	vadd.s32 v53, v47;
	v2 =	vshll.u32 v57, $0x7;
	v57 =	vshll.u32 v57, $0x8  }
0x166: {  	v1 =	vor.u32 v1, v37;
	v0 =	vor.u32 v0, v54;
	v2 =	vand.u32 $0x380, v2  }
0x167: {  	v57 =	vand.u32 $0xFFFFF800, v57;
	v1 =	vor.u32 v60, v1;
	v63 =	vshll.u32 v11, $0x8  }
0x168: {  	v0 =	vor.u32 v56, v0;
	v52 =	vand.u32 $0xFFFFF800, v63;
	v63 =	vand.u32 $0xFFFFFC00, v49  }
0x169: {  	v62 =	vshll.u32 v11, $0x7;
	v11 =	vand.u32 $0x380, v10;
	v43 =	vadd.s32 v57, v63  }
0x16a: {  	v10 =	vand.u32 $0x380, v19;
	v19 =	vand.u32 $0xFFFFFC00, v33;
	v2 =	vor.u32 v2, v43  }
0x16b: {  	v62 =	vand.u32 $0x380, v62;
	v52 =	vadd.s32 v52, v46;
	v2 =	vor.u32 v61, v2  }
0x16c: {  	v33 =	vand.u32 $0x380, v51;
	v51 =	vand.u32 $0x380, v59;
	v37 =	vor.u32 v62, v52  }
0x16d: {  	v32 =	vor.u32 v33, v32;
	v37 =	vor.u32 v55, v37;
	v55 =	vadd.s32 v44, v45  }
0x16e: {  	v25 =	vand.u32 $0xFFFFFC00, v25;
	v57 =	vld.idx.msk [tilespmem:v38+s2+$0x0], $0xffff;
	v60 =	vor.u32 v39, v32;
	v41 =	vor.u32 v51, v55  }
0x16f: {  	v22 =	vand.u32 $0xFFFFFC00, v22;
	v59 =	vadd.s32 v40, v35;
	v1 =	vld.idx.msk [tilespmem:v1+s2+$0x0], $0xffff;
	v58 =	vor.u32 v50, v41  }
0x170: {  	v34 =	vor.u32 v34, v59;
	v33 =	vand.u32 $0xFFFFFC00, v16;
	v16 =	vand.u32 $0x380, v28;
	v2 =	vld.idx.msk [tilespmem:v2+s2+$0x0], $0xffff  }
0x171: {  	v28 =	vand.u32 $0xFFFFFC00, v23;
	v23 =	vand.u32 $0xFFFFF800, v24;
	v24 =	vadd.s32 v3, v4;
	v0 =	vld.idx.msk [tilespmem:v0+s2+$0x0], $0xffff  }
0x172: {  	v32 =	vand.u32 $0xFFFFF800, v13;
	v61 =	vor.u32 v48, v34;
	v34 =	vand.u32 $0xFFFFFC00, v17;
	v37 =	vld.idx.msk [tilespmem:v37+s2+$0x0], $0xffff  }
0x173: {  	s7 =	sadd.s32 $0x4, s7;
	v17 =	vand.u32 $0x380, v27;
	v27 =	vand.u32 $0xFFFFFC00, v31;
	v31 =	vsub.f32 $0.0e+00, v57;
	v62 =	vld.idx.msk [tilespmem:v60+s2+$0x0], $0xffff  }
0x174: {  	p1 =	slt.u32 s7, $0x3C;
	v13 =	vand.u32 $0x380, v29;
	v29 =	vand.u32 $0xFFFFF800, v15;
	v1 =	vsub.f32 $0.0e+00, v1;
	v38 =	vld.idx.msk [tilespmem:v58+s2+$0x0], $0xffff  }
.Ltmp1:
0x175: {  	v49 =	vld [tilespmem:$0x1FFB0];
	v15 =	vand.u32 $0x380, v20;
	v31 =	vmul.f32 $1.442695020e+00, v31;
	v2 =	vsub.f32 $0.0e+00, v2;
	(pc) =	sbr.rel @p1 .LBB2_4-.Ltmp1, $4  }
0x176: {  	v20 =	vand.u32 $0xFFFFF800, v30;
	v48 =	vmovc v5;
	v5 =	vld [tilespmem:$0x1FFE0];
	v0 =	vsub.f32 $0.0e+00, v0;
	v1 =	vmul.f32 $1.442695020e+00, v1  }
0x177: {  	v51 =	vmovc v7;
	v7 =	vld [tilespmem:$0x1FFC0];
	(erf) = vpow2.f32 v31;
	v63 =	vsub.f32 $0.0e+00, v37;
	v2 =	vmul.f32 $1.442695020e+00, v2  }
0x178: {  	v50 =	vld [tilespmem:$0x1FFD0];
	v35 =	vmul.f32 $1.442695020e+00, v0;
	v36 =	vsub.f32 $0.0e+00, v62;
	(erf) = vpow2.f32 v1  }
0x179: {  	s8 =	sadd.s32 $0x40, s8;
	v30 =	vld.idx.msk [tilespmem:v61+s2+$0x0], $0xffff;
	v31 =	vmul.f32 $1.442695020e+00, v63;
	v37 =	vsub.f32 $0.0e+00, v38;
	(erf) = vpow2.f32 v2  }
0x17a: {  	_ =	sdelay $0x2  }
0x17b: {  	(erf) = vpow2.f32 v31  }
0x17c: {  	v0 =	vmul.f32 $1.442695020e+00, v37;
	v1 =	vsub.f32 $0.0e+00, v30  }
0x17d: {  	v2 =	vmul.f32 $1.442695020e+00, v36;
	v3 =	vadd.s32 v32, v33;
	(erf) = vpow2.f32 v35  }
0x17e: {  	v4 =	vadd.s32 v29, v34;
	(erf) = vpow2.f32 v0;
	v1 =	vmul.f32 $1.442695020e+00, v1  }
0x17f: {  	v3 =	vor.u32 v12, v3;
	v4 =	vor.u32 v14, v4;
	(erf) = vpow2.f32 v2  }
0x180: {  	v0 =	vadd.s32 v18, v19;
	v2 =	vadd.s32 v21, v25;
	v12 =	vpop (erf);
	(erf) = vpow2.f32 v1  }
0x181: {  	v18 =	vadd.s32 v20, v27;
	v19 =	vadd.s32 v23, v22;
	v2 =	vor.u32 v13, v2;
	v13 =	vpop (erf)  }
0x182: {  	v14 =	vor.u32 v15, v18;
	v15 =	vor.u32 v16, v19;
	v12 =	vadd.f32 $1.000000000e+00, v12;
	v16 =	vpop (erf)  }
0x183: {  	v3 =	vor.u32 v7, v3;
	v1 =	vadd.s32 v26, v28;
	v7 =	vadd.f32 $1.000000000e+00, v16  }
0x184: {  	v13 =	vadd.f32 $1.000000000e+00, v13;
	v1 =	vor.u32 v17, v1;
	v16 =	vpop (erf)  }
0x185: {  	(erf) = vrcp.f32 v12;
	v1 =	vor.u32 v8, v1;
	v8 =	vadd.f32 $1.000000000e+00, v16  }
0x186: {  	(erf) = vrcp.f32 v13;
	v12 =	vpop (erf)  }
0x187: {  	v9 =	vor.u32 v9, v15;
	(erf) = vrcp.f32 v7;
	v12 =	vadd.f32 $1.000000000e+00, v12;
	v7 =	vpop (erf)  }
0x188: {  	v2 =	vor.u32 v5, v2;
	(erf) = vrcp.f32 v8;
	v5 =	vadd.f32 $1.000000000e+00, v7;
	v7 =	vpop (erf)  }
0x189: {  	v4 =	vor.u32 v51, v4;
	v6 =	vor.u32 v6, v14;
	(erf) = vrcp.f32 v12;
	v8 =	vpop (erf)  }
0x18a: {  	v3 =	vld.idx.msk [tilespmem:v3+s29+$0x0], $0xffff;
	v7 =	vadd.f32 $1.000000000e+00, v7;
	(erf) = vrcp.f32 v5;
	v8 =	vadd.f32 $1.000000000e+00, v8  }
0x18b: {  	v11 =	vor.u32 v11, v24;
	v1 =	vld.idx.msk [tilespmem:v1+s29+$0x0], $0xffff  }
0x18c: {  	v5 =	vor.u32 v50, v11;
	(erf) = vrcp.f32 v7;
	v7 =	vld.idx.msk [tilespmem:v9+s29+$0x0], $0xffff  }
0x18d: {  	v0 =	vor.u32 v10, v0;
	v2 =	vld.idx.msk [tilespmem:v2+s29+$0x0], $0xffff  }
0x18e: {  	v0 =	vor.u32 v49, v0;
	v6 =	vld.idx.msk [tilespmem:v6+s29+$0x0], $0xffff;
	(erf) = vrcp.f32 v8;
	v8 =	vpop (erf)  }
0x18f: {  	v4 =	vld.idx.msk [tilespmem:v4+s29+$0x0], $0xffff;
	v9 =	vpop (erf)  }
0x190: {  	v10 =	vpop (erf)  }
0x191: {  	v5 =	vld.idx.msk [tilespmem:v5+s29+$0x0], $0xffff;
	v1 =	vsub.f32 v9, v1;
	v7 =	vsub.f32 v10, v7;
	v9 =	vpop (erf)  }
0x192: {  	v2 =	vsub.f32 v9, v2;
	v9 =	vpop (erf)  }
0x193: {  	v0 =	vld.idx.msk [tilespmem:v0+s29+$0x0], $0xffff;
	v1 =	vmul.f32 v1, v1;
	v7 =	vmul.f32 v7, v7;
	v6 =	vsub.f32 v9, v6;
	v9 =	vpop (erf)  }
0x194: {  	v3 =	vsub.f32 v8, v3;
	v4 =	vsub.f32 v9, v4  }
0x195: {  	s31 =	simm.s32 $0x1E510;
	v8 =	vpop (erf);
	v2 =	vmul.f32 v2, v2;
	v1 =	vadd.f32 v7, v1;
	v6 =	vmul.f32 v6, v6  }
0x196: {  	v3 =	vmul.f32 v3, v3;
	v5 =	vsub.f32 v8, v5;
	v8 =	vld [tilespmem:s31+$0xFFFFFFF0]  }
0x197: {  	s3 =	simm.s32 $0x1E410;
	v4 =	vmul.f32 v4, v4;
	v7 =	vpop (erf);
	v1 =	vadd.f32 v1, v48;
	v2 =	vadd.f32 v6, v2;
	v6 =	vld [tilespmem:s31+$0x0]  }
0x198: {  	s4 =	simm.s32 $0x1E490;
	v0 =	vsub.f32 v7, v0;
	v7 =	vld [tilespmem:s3+$0xFFFFFFF0]  }
0x199: {  	v1 =	vadd.f32 v2, v1;
	v2 =	vadd.f32 v4, v3;
	v4 =	vld [tilespmem:s4+$0x0]  }
0x19a: {  	v5 =	vmul.f32 v5, v5;
	v3 =	vld [tilespmem:s3+$0x0];
	v0 =	vmul.f32 v0, v0  }
0x19b: {  	v16 =	vshll.u32 v8, $0x7;
	v8 =	vshll.u32 v8, $0x8;
	v1 =	vadd.f32 v2, v1  }
0x19c: {  	s5 =	simm.s32 $0x1E590;
	v9 =	vld [tilespmem:$0x1FFF0];
	v16 =	vand.u32 $0x380, v16;
	v0 =	vadd.f32 v0, v5;
	v14 =	vshll.u32 v6, $0x7  }
0x19d: {  	v2 =	vld [tilespmem:s5+$0x0];
	v6 =	vshll.u32 v6, $0x8;
	v15 =	vshll.u32 v7, $0x7;
	v7 =	vshll.u32 v7, $0x8  }
0x19e: {  	v5 =	vld [tilespmem:s4+$0xFFFFFFF0];
	v6 =	vand.u32 $0xFFFFF800, v6;
	v0 =	vadd.f32 v0, v1;
	v10 =	vand.u32 $0x7F, v4  }
0x19f: {  	v1 =	vld [tilespmem:s5+$0xFFFFFFF0];
	v13 =	vshll.u32 v3, $0x7;
	v3 =	vshll.u32 v3, $0x8;
	v4 =	vshll.u32 v4, $0x3  }
0x1a0: {  	v15 =	vand.u32 $0x380, v15;
	v7 =	vand.u32 $0xFFFFF800, v7;
	v13 =	vand.u32 $0x380, v13  }
0x1a1: {  	s6 =	simm.s32 $0x1E430;
	v3 =	vand.u32 $0xFFFFF800, v3;
	v4 =	vand.u32 $0xFFFFFC00, v4;
	v0 =	vadd.f32 v0, v0  }
0x1a2: {  	v17 =	vld [tilespmem:s6+$0x0];
	s3 =	simm.s32 $0x1E4B0;
	v11 =	vand.u32 $0x7F, v2;
	v2 =	vshll.u32 v2, $0x3;
	v3 =	vadd.s32 v3, v4  }
0x1a3: {  	v18 =	vld [tilespmem:s3+$0x0];
	v0 =	vadd.f32 v0, v9;
	v9 =	vand.u32 $0x7F, v5;
	v5 =	vshll.u32 v5, $0x3  }
0x1a4: {  	v21 =	vld [tilespmem:s3+$0xFFFFFFF0];
	s4 =	simm.s32 $0x1E530;
	v12 =	vand.u32 $0x7F, v1;
	v1 =	vshll.u32 v1, $0x3;
	v5 =	vand.u32 $0xFFFFFC00, v5  }
0x1a5: {  	v19 =	vld [tilespmem:s4+$0x0];
	s5 =	simm.s32 $0x1E5B0;
	v5 =	vadd.s32 v7, v5;
	v7 =	vand.u32 $0xFFFFF800, v8;
	v1 =	vand.u32 $0xFFFFFC00, v1  }
0x1a6: {  	v20 =	vld [tilespmem:s5+$0x0];
	v2 =	vand.u32 $0xFFFFFC00, v2;
	v1 =	vadd.s32 v7, v1;
	v5 =	vor.u32 v15, v5  }
0x1a7: {  	v2 =	vadd.s32 v6, v2;
	v6 =	vld [tilespmem:s4+$0xFFFFFFF0];
	v1 =	vor.u32 v16, v1;
	v5 =	vor.u32 v9, v5  }
0x1a8: {  	v14 =	vand.u32 $0x380, v14;
	v3 =	vor.u32 v13, v3;
	v7 =	vld [tilespmem:s5+$0xFFFFFFF0];
	v8 =	vor.u32 v12, v1  }
0x1a9: {  	v22 =	vshll.u32 v17, $0x8;
	v2 =	vor.u32 v14, v2;
	v15 =	vld [tilespmem:s6+$0xFFFFFFF0];
	v9 =	vor.u32 v10, v3  }
0x1aa: {  	v23 =	vshll.u32 v18, $0x3;
	v63 =	vshll.u32 v19, $0x8;
	v10 =	vor.u32 v11, v2  }
0x1ab: {  	v13 =	vshll.u32 v20, $0x3;
	v3 =	vand.u32 $0x7F, v21;
	v2 =	vand.u32 $0x7F, v18  }
0x1ac: {  	v11 =	vshll.u32 v17, $0x7;
	v1 =	vand.u32 $0x7F, v20;
	v12 =	vshll.u32 v19, $0x7;
	v5 =	vld.idx.msk [tilespmem:v5+s29+$0x0], $0xffff  }
0x1ad: {  	v18 =	vshll.u32 v6, $0x7;
	v20 =	vshll.u32 v21, $0x3;
	v14 =	vshll.u32 v6, $0x8;
	v8 =	vld.idx.msk [tilespmem:v8+s29+$0x0], $0xffff  }
0x1ae: {  	v4 =	vand.u32 $0x7F, v7;
	v17 =	vshll.u32 v15, $0x7;
	v19 =	vshll.u32 v15, $0x8;
	v6 =	vld.idx.msk [tilespmem:v9+s29+$0x0], $0xffff  }
0x1af: {  	v16 =	vshll.u32 v7, $0x3;
	v7 =	vand.u32 $0x380, v12;
	v12 =	vand.u32 $0xFFFFF800, v22;
	v10 =	vld.idx.msk [tilespmem:v10+s29+$0x0], $0xffff  }
0x1b0: {  	s7 =	simm.s32 $0x1E450;
	s6 =	simm.s32 $0x2;
	v15 =	vand.u32 $0xFFFFFC00, v23;
	v9 =	vand.u32 $0x380, v11;
	v11 =	vand.u32 $0xFFFFF800, v63  }
.LBB2_6:
0x1b1: {  	v21 =	vld [tilespmem:s7+$0x0];
	v17 =	vand.u32 $0x380, v17;
	v18 =	vand.u32 $0x380, v18;
	v13 =	vand.u32 $0xFFFFFC00, v13;
	s3 =	sadd.s32 $0x20, s3  }
0x1b2: {  	v19 =	vand.u32 $0xFFFFF800, v19;
	v20 =	vand.u32 $0xFFFFFC00, v20;
	s4 =	sadd.s32 $0x20, s4;
	v5 =	vsub.f32 v5, v8;
	v22 =	vld [tilespmem:s3+$0x0]  }
0x1b3: {  	v14 =	vand.u32 $0xFFFFF800, v14;
	v16 =	vand.u32 $0xFFFFFC00, v16;
	s5 =	sadd.s32 $0x20, s5;
	v19 =	vadd.s32 v19, v20;
	v8 =	vld [tilespmem:s4+$0x0]  }
0x1b4: {  	v14 =	vadd.s32 v14, v16;
	v5 =	vmul.f32 v5, v5;
	v6 =	vsub.f32 v6, v10;
	v20 =	vld [tilespmem:s5+$0x0]  }
0x1b5: {  	v12 =	vadd.s32 v12, v15;
	v16 =	vor.u32 v17, v19;
	v14 =	vor.u32 v18, v14;
	v10 =	vld [tilespmem:s3+$0xFFFFFFF0]  }
0x1b6: {  	v16 =	vor.u32 v3, v16;
	v0 =	vadd.f32 v5, v0;
	v3 =	vmul.f32 v6, v6;
	v15 =	vld [tilespmem:s5+$0xFFFFFFF0]  }
0x1b7: {  	v6 =	vor.u32 v4, v14;
	v4 =	vor.u32 v9, v12;
	v5 =	vadd.s32 v11, v13;
	v19 =	vld [tilespmem:s7+$0xFFFFFFF0]  }
0x1b8: {  	v11 =	vor.u32 v2, v4;
	v2 =	vor.u32 v7, v5;
	v0 =	vadd.f32 v3, v0;
	v9 =	vld [tilespmem:s4+$0xFFFFFFF0]  }
0x1b9: {  	v7 =	vor.u32 v1, v2  }
0x1ba: {  	s6 =	sadd.s32 $0x2, s6;
	v2 =	vand.u32 $0x7F, v22;
	v1 =	vand.u32 $0x7F, v20;
	v3 =	vand.u32 $0x7F, v10  }
0x1bb: {  	p1 =	slt.u32 s6, $0x6;
	v12 =	vshll.u32 v21, $0x7;
	v23 =	vshll.u32 v8, $0x7;
	v4 =	vand.u32 $0x7F, v15;
	v5 =	vld.idx.msk [tilespmem:v16+s29+$0x0], $0xffff  }
.Ltmp2:
0x1bc: {  	v21 =	vshll.u32 v21, $0x8;
	v22 =	vshll.u32 v22, $0x3;
	v24 =	vshll.u32 v8, $0x8;
	v8 =	vld.idx.msk [tilespmem:v6+s29+$0x0], $0xffff;
	(pc) =	sbr.rel @p1 .LBB2_6-.Ltmp2, $4  }
0x1bd: {  	v13 =	vshll.u32 v20, $0x3;
	v17 =	vshll.u32 v19, $0x7;
	v18 =	vshll.u32 v9, $0x7;
	v6 =	vld.idx.msk [tilespmem:v11+s29+$0x0], $0xffff  }
0x1be: {  	v20 =	vshll.u32 v10, $0x3;
	v19 =	vshll.u32 v19, $0x8;
	v14 =	vshll.u32 v9, $0x8;
	v10 =	vld.idx.msk [tilespmem:v7+s29+$0x0], $0xffff  }
0x1bf: {  	v16 =	vshll.u32 v15, $0x3;
	v9 =	vand.u32 $0x380, v12;
	v7 =	vand.u32 $0x380, v23  }
0x1c0: {  	s7 =	sadd.s32 $0x20, s7;
	v15 =	vand.u32 $0xFFFFFC00, v22;
	v12 =	vand.u32 $0xFFFFF800, v21;
	v11 =	vand.u32 $0xFFFFF800, v24  }
0x1c1: {  	v17 =	vand.u32 $0x380, v17  }
0x1c2: {  	v18 =	vand.u32 $0x380, v18;
	v19 =	vand.u32 $0xFFFFF800, v19;
	v20 =	vand.u32 $0xFFFFFC00, v20  }
0x1c3: {  	v14 =	vand.u32 $0xFFFFF800, v14;
	v16 =	vand.u32 $0xFFFFFC00, v16;
	v19 =	vadd.s32 v19, v20  }
0x1c4: {  	v13 =	vand.u32 $0xFFFFFC00, v13;
	v14 =	vadd.s32 v14, v16;
	v62 =	vor.u32 v17, v19  }
0x1c5: {  	v12 =	vadd.s32 v12, v15;
	v14 =	vor.u32 v18, v14;
	v3 =	vor.u32 v3, v62  }
0x1c6: {  	v9 =	vor.u32 v9, v12;
	v11 =	vadd.s32 v11, v13;
	v4 =	vor.u32 v4, v14  }
0x1c7: {  	v2 =	vor.u32 v2, v9;
	v7 =	vor.u32 v7, v11  }
0x1c8: {  	v1 =	vor.u32 v1, v7;
	_ =	sdelay $0x1  }
0x1c9: {  	v3 =	vld.idx.msk [tilespmem:v3+s29+$0x0], $0xffff  }
0x1ca: {  	v4 =	vld.idx.msk [tilespmem:v4+s29+$0x0], $0xffff  }
0x1cb: {  	v5 =	vsub.f32 v5, v8;
	v2 =	vld.idx.msk [tilespmem:v2+s29+$0x0], $0xffff  }
0x1cc: {  	v1 =	vld.idx.msk [tilespmem:v1+s29+$0x0], $0xffff  }
0x1cd: {  	v5 =	vmul.f32 v5, v5;
	v6 =	vsub.f32 v6, v10;
	_ =	sdelay $0x1  }
0x1ce: {  	v0 =	vadd.f32 v5, v0;
	v63 =	vmul.f32 v6, v6;
	v3 =	vsub.f32 v3, v4;
	_ =	sdelay $0x1  }
0x1cf: {  	v0 =	vadd.f32 v63, v0;
	v1 =	vsub.f32 v2, v1;
	v3 =	vmul.f32 v3, v3;
	_ =	sdelay $0x1  }
0x1d0: {  	v1 =	vmul.f32 v1, v1;
	v0 =	vadd.f32 v3, v0;
	_ =	sdelay $0x1  }
0x1d1: {  	v0 =	vadd.f32 v1, v0;
	_ =	sdelay $0x1  }
0x1d2: {  	s3 =	simm.s32 $0x1E600;
	[tilespmem:$0x1E600] =	vst v0  }
0x1d3: {  	[spmem:s21] =	stream.linear.scatter [tilespmem:s3], [sflag:$0x2], $0x10, $0x38;
	[tilespmem:$0x1E810] =	vst v63  }
0x1d4: {  	_ =	swait.ge [sflag:s0], $0x10  }
0x1d5: {  	[sflag:s0] =	ssyncset.done $0x0  }
0x1d6: {  	[sflag:s0] =	ssyncadd.s32 $0xFFFFFFF0  }
0x1d7: {  	[bflag:$0x0] =	sbarrier.arrive $0xFFFF  }
0x1d8: {  	s3 =	simm.s32 @!p0 $0x1E680;
	s4 =	rddreg [dreg:$0x3]  }
0x1d9: {  	[tilespmem:s3], [sflag:$0x2] =	stream.linear.gather @!p0 [spmem:s4], $0x100, $0x38;
	[tilespmem:$0x1E810] =	vst v63  }
0x1da: {  	s3 =	simm.s32 @!p0 $0x2  }
0x1db: {  	_ =	swait.ge @!p0 [sflag:s3], $0x100  }
0x1dc: {  	[sflag:s3] =	ssyncset.done @!p0 $0x0  }
0x1dd: {  	[sflag:s3] =	ssyncadd.s32 @!p0 $0xFFFFFF00  }
0x1de: {  	v0 =	vld @!p0 [tilespmem:$0x1E680];
	_ =	sdelay $0x1  }
0x1df: {  	v1 =	vld @!p0 [tilespmem:$0x1E690];
	_ =	sdelay $0x1  }
0x1e0: {  	v2 =	vld @!p0 [tilespmem:$0x1E6A0]  }
0x1e1: {  	v0 =	vadd.f32 @!p0 $0.0e+00, v0  }
0x1e2: {  	v3 =	vld @!p0 [tilespmem:$0x1E6B0]  }
0x1e3: {  	v0 =	vadd.f32 @!p0 v1, v0  }
0x1e4: {  	v1 =	vld @!p0 [tilespmem:$0x1E6C0]  }
0x1e5: {  	v0 =	vadd.f32 @!p0 v2, v0  }
0x1e6: {  	v2 =	vld @!p0 [tilespmem:$0x1E6D0]  }
0x1e7: {  	v0 =	vadd.f32 @!p0 v3, v0  }
0x1e8: {  	v3 =	vld @!p0 [tilespmem:$0x1E6E0]  }
0x1e9: {  	v0 =	vadd.f32 @!p0 v1, v0  }
0x1ea: {  	v1 =	vld @!p0 [tilespmem:$0x1E6F0]  }
0x1eb: {  	v0 =	vadd.f32 @!p0 v2, v0  }
0x1ec: {  	v2 =	vld @!p0 [tilespmem:$0x1E700]  }
0x1ed: {  	v0 =	vadd.f32 @!p0 v3, v0  }
0x1ee: {  	v3 =	vld @!p0 [tilespmem:$0x1E710]  }
0x1ef: {  	v0 =	vadd.f32 @!p0 v1, v0  }
0x1f0: {  	v1 =	vld @!p0 [tilespmem:$0x1E720]  }
0x1f1: {  	v0 =	vadd.f32 @!p0 v2, v0  }
0x1f2: {  	v2 =	vld @!p0 [tilespmem:$0x1E730]  }
0x1f3: {  	v0 =	vadd.f32 @!p0 v3, v0  }
0x1f4: {  	v3 =	vld @!p0 [tilespmem:$0x1E740]  }
0x1f5: {  	v0 =	vadd.f32 @!p0 v1, v0  }
0x1f6: {  	v1 =	vld @!p0 [tilespmem:$0x1E750]  }
0x1f7: {  	v0 =	vadd.f32 @!p0 v2, v0  }
0x1f8: {  	v2 =	vld @!p0 [tilespmem:$0x1E760]  }
0x1f9: {  	v0 =	vadd.f32 @!p0 v3, v0  }
0x1fa: {  	v3 =	vld @!p0 [tilespmem:$0x1E770]  }
0x1fb: {  	v0 =	vadd.f32 @!p0 v1, v0;
	_ =	sdelay $0x1  }
0x1fc: {  	v0 =	vadd.f32 @!p0 v2, v0;
	_ =	sdelay $0x1  }
0x1fd: {  	v0 =	vadd.f32 @!p0 v3, v0;
	_ =	sdelay $0x1  }
0x1fe: {  	(xrf2) =	vadd.scan.msk.f32 @!p0 $0xffff, v0;
	_ =	sdelay $0x9  }
0x1ff: {  	v0, _, _ =	vpop @!p0 (xrf2)  }
0x200: {  	(v2sf) =	vpush @!p0 v0, $0xF;
	_ =	sdelay $0xe  }
0x201: {  	s4 =	spop @!p0 (v2sf)  }
0x202: {  	s4 =	smul.f32 @!p0 $1.250000000e-01, s4  }
0x203: {  	s1 =	sadd.s32 $0x1, s1  }
0x204: {  	p1 =	sne.s32 s1, s23;
	v0 =	vmov @!p0 s4  }
.Ltmp3:
0x205: {  	s5 =	simm.s32 @!p0 $0x1E780;
	s4 =	simm.s32 @!p0 $0x0;
	[tilespmem:$0x1E780] =	vst @!p0 v0;
	(pc) =	sbr.rel @p1 .LBB2_1-.Ltmp3, $4  }
0x206: {  	[hbm4b:s22+s4] =	stream.linear.scatter @!p0 [tilespmem:s5], [sflag:$0x2], $0x80, $0x38;
	[tilespmem:$0x1E810] =	vst v63  }
0x207: {  	_ =	swait.ge @!p0 [sflag:s3], $0x80  }
0x208: {  	[sflag:s3] =	ssyncset.done @!p0 $0x0  }
0x209: {  	[sflag:s3] =	ssyncadd.s32 @!p0 $0xFFFFFF80  }
0x20a: {  	_ =	sfence.sel $0x180000  }
0x20b: {  	[bflag:$0x0] =	sbarrier.arrive $0xFFFF  }
0x20c: {  	_ =	strace $0x90000047  }
0x20d: {  	[bflag:$0x2] =	sbarrier.arrive $0xFFFF  }
0x20e: {  	s0 =	rddreg [dreg:$0x4]  }
0x20f: {  	s0 =	sadd.s32 @!p0 $0x100000, s0  }
0x210: {  	[sflag:s0] =	ssyncadd.tile.s32 @!p0 $0x1;
	_ =	shalt  }
.Lfunc_end2:
_tile_overlayer_lowered:
.L_overlay_start_2:
0x211: {  	(tag) =	ssettag $0x2  }
0x212: {  	s0 =	rddreg [dreg:$0x0];
	s2 =	stileid.u32  }
0x213: {  	s1 =	rddreg [dreg:$0x1];
	p0 =	sne.s32 s2, $0x0  }
0x214: {  	s3 =	rddreg [dreg:$0x2];
	[bflag:$0x3] =	sbarrier.arrive $0xFFFF;
	s2 =	simm.s32 @!p0 $0x1C02  }
0x215: {  	[timem:s3], [sflag:s2] =	dma.local @!p0 [hbm:s0], s1  }
0x216: {  	s0 =	simm.s32 @!p0 $0x2  }
0x217: {  	_ =	swait.ge @!p0 [sflag:s0], s1  }
0x218: {  	s1 =	ssub.s32 @!p0 $0x0, s1;
	[sflag:s0] =	ssyncset.done @!p0 $0x0  }
0x219: {  	[sflag:s0] =	ssyncadd.s32 @!p0 s1  }
0x21a: {  	[bflag:$0x3] =	sbarrier.arrive $0xFFFF  }
0x21b: {  	_ =	shalt  }

</sc_bundles>
